<compile_context>
chip_gen: v7x
topology: tpu7x:2x2x1
jax: 0.10.2.dev20260603
libtpu: 0.0.44.dev20260713+nightly
codegen_flags: <defaults>
</compile_context>

<pallas_src>
import jax
import jax.numpy as jnp
from jax import lax
from jax.experimental import pallas as pl
from jax.experimental.pallas import tpu as pltpu
from jax.experimental.pallas import tpu_sc as plsc

IN_CH = 256
OUT_CH = 128
HEADS = 16
CPH = OUT_CH // HEADS
N_NODES = 10000
N_PAD = 10240
E_EDGES = 160000
NTILES = 32
CHUNK = 128
NCHUNK = 40
E_PER_TILE = CHUNK * NCHUNK
E_PADDED = E_PER_TILE * NTILES
ROWS_PER_TILE = N_PAD // 16
BLK = 512
NBLK = N_PAD // BLK
BLK_OUT = 1280
NBLK_OUT = E_EDGES // BLK_OUT
NBLK_PART = N_PAD // BLK_OUT
BND_BLK = N_NODES // BLK_OUT
HALF = OUT_CH // 2


def _tc_lin_body(x_ref, w_ref, m_ref, xw_ref, ssrc_ref, sdst_ref):
    xw = jnp.dot(x_ref[...], w_ref[...], preferred_element_type=jnp.float32)
    xw_ref[...] = xw
    s = jnp.dot(xw, m_ref[...], preferred_element_type=jnp.float32)
    ssrc_ref[...] = s[:, :HEADS]
    sdst_ref[...] = s[:, HEADS:]


def _tc_lin(x_pad, W, M):
    return pl.pallas_call(
        _tc_lin_body,
        grid=(NBLK,),
        in_specs=[
            pl.BlockSpec((BLK, IN_CH), lambda b: (b, 0)),
            pl.BlockSpec((IN_CH, OUT_CH), lambda b: (0, 0)),
            pl.BlockSpec((OUT_CH, 2 * HEADS), lambda b: (0, 0)),
        ],
        out_specs=[
            pl.BlockSpec((BLK, OUT_CH), lambda b: (b, 0)),
            pl.BlockSpec((BLK, HEADS), lambda b: (b, 0)),
            pl.BlockSpec((BLK, HEADS), lambda b: (b, 0)),
        ],
        out_shape=[
            jax.ShapeDtypeStruct((N_PAD, OUT_CH), jnp.float32),
            jax.ShapeDtypeStruct((N_PAD, HEADS), jnp.float32),
            jax.ShapeDtypeStruct((N_PAD, HEADS), jnp.float32),
        ],
    )(x_pad, W, M)


def _sc1_body(idxi_hbm, idxj_hbm, ssrc_hbm, sdst_hbm,
              s_out, cnt_out,
              idxi_v, idxj_v, a_v, b_v, e_v, ones_v, z_v,
              s_sh, cnt_sh, src_sh, dst_sh,
              sema, semb, ssem, osem):
    cid = lax.axis_index("c")
    sid = lax.axis_index("s")
    wid = sid * 2 + cid
    row0 = sid * ROWS_PER_TILE

    @plsc.parallel_loop(0, CHUNK, unroll=8)
    def _fill_ones(i):
        ones_v[i, :] = jnp.ones((16,), jnp.float32)

    @plsc.parallel_loop(0, ROWS_PER_TILE, unroll=8)
    def _fill_zero(i):
        z_v[i, :] = jnp.zeros((16,), jnp.float32)

    pltpu.sync_copy(z_v, s_sh.at[pl.ds(row0, ROWS_PER_TILE)])
    pltpu.sync_copy(z_v, cnt_sh.at[pl.ds(row0, ROWS_PER_TILE)])
    pltpu.sync_copy(ssrc_hbm.at[pl.ds(row0, ROWS_PER_TILE)],
                    src_sh.at[pl.ds(row0, ROWS_PER_TILE)])
    pltpu.sync_copy(sdst_hbm.at[pl.ds(row0, ROWS_PER_TILE)],
                    dst_sh.at[pl.ds(row0, ROWS_PER_TILE)])

    pltpu.sync_copy(idxi_hbm.at[pl.ds(wid * NCHUNK, NCHUNK)], idxi_v)
    pltpu.sync_copy(idxj_hbm.at[pl.ds(wid * NCHUNK, NCHUNK)], idxj_v)

    plsc.subcore_barrier()

    pltpu.async_copy(src_sh.at[idxi_v.at[0]], a_v.at[0], sema.at[0])
    pltpu.async_copy(dst_sh.at[idxj_v.at[0]], b_v.at[0], semb.at[0])

    def _chunk(c, _):
        buf = lax.rem(c, 2)
        nbuf = lax.rem(c + 1, 2)

        @pl.when(c + 1 < NCHUNK)
        def _prefetch():
            pltpu.async_copy(src_sh.at[idxi_v.at[c + 1]], a_v.at[nbuf],
                             sema.at[nbuf])
            pltpu.async_copy(dst_sh.at[idxj_v.at[c + 1]], b_v.at[nbuf],
                             semb.at[nbuf])

        pltpu.make_async_copy(src_sh.at[idxi_v.at[0]], a_v.at[buf],
                              sema.at[buf]).wait()
        pltpu.make_async_copy(dst_sh.at[idxj_v.at[0]], b_v.at[buf],
                              semb.at[buf]).wait()

        @pl.when(c >= 2)
        def _drain():
            pltpu.make_async_copy(e_v.at[buf], s_sh.at[idxi_v.at[0]],
                                  ssem.at[buf]).wait()

        @plsc.parallel_loop(0, CHUNK, unroll=8)
        def _edge(i):
            v = a_v[buf, i, :] + b_v[buf, i, :]
            v = jnp.where(v >= 0.0, v, 0.2 * v)
            e_v[buf, i, :] = jnp.exp(v)

        pltpu.async_copy(e_v.at[buf], s_sh.at[idxi_v.at[c]], ssem.at[buf],
                         add=True)
        pltpu.async_copy(ones_v, cnt_sh.at[idxj_v.at[c]], osem, add=True)
        return 0
    lax.fori_loop(0, NCHUNK, _chunk, 0)

    pltpu.make_async_copy(e_v.at[0], s_sh.at[idxi_v.at[0]],
                          ssem.at[0]).wait()
    pltpu.make_async_copy(e_v.at[1], s_sh.at[idxi_v.at[0]],
                          ssem.at[1]).wait()

    def _drain_ones(c, _):
        pltpu.make_async_copy(ones_v, cnt_sh.at[idxj_v.at[0]], osem).wait()
        return 0
    lax.fori_loop(0, NCHUNK, _drain_ones, 0)

    plsc.subcore_barrier()

    pltpu.sync_copy(s_sh.at[pl.ds(row0, ROWS_PER_TILE)],
                    s_out.at[cid, pl.ds(row0, ROWS_PER_TILE)])
    pltpu.sync_copy(cnt_sh.at[pl.ds(row0, ROWS_PER_TILE)],
                    cnt_out.at[cid, pl.ds(row0, ROWS_PER_TILE)])


def _sc1(idxi, idxj, ssrc, sdst):
    mesh = plsc.VectorSubcoreMesh(core_axis_name="c", subcore_axis_name="s")
    return pl.kernel(
        _sc1_body,
        out_type=[
            jax.ShapeDtypeStruct((2, N_PAD, HEADS), jnp.float32),
            jax.ShapeDtypeStruct((2, N_PAD, HEADS), jnp.float32),
        ],
        mesh=mesh,
        compiler_params=pltpu.CompilerParams(use_tc_tiling_on_sc=False),
        scratch_types=[
            pltpu.VMEM((NCHUNK, CHUNK), jnp.int32),
            pltpu.VMEM((NCHUNK, CHUNK), jnp.int32),
            pltpu.VMEM((2, CHUNK, HEADS), jnp.float32),
            pltpu.VMEM((2, CHUNK, HEADS), jnp.float32),
            pltpu.VMEM((2, CHUNK, HEADS), jnp.float32),
            pltpu.VMEM((CHUNK, HEADS), jnp.float32),
            pltpu.VMEM((ROWS_PER_TILE, HEADS), jnp.float32),
            pltpu.VMEM_SHARED((N_PAD, HEADS), jnp.float32),
            pltpu.VMEM_SHARED((N_PAD, HEADS), jnp.float32),
            pltpu.VMEM_SHARED((N_PAD, HEADS), jnp.float32),
            pltpu.VMEM_SHARED((N_PAD, HEADS), jnp.float32),
            pltpu.SemaphoreType.DMA((2,)),
            pltpu.SemaphoreType.DMA((2,)),
            pltpu.SemaphoreType.DMA((2,)),
            pltpu.SemaphoreType.DMA,
        ],
    )(idxi, idxj, ssrc, sdst)


def _tc_mid_body(s_ref, cnt_ref, xw_ref, r_ref, y0_ref, y1_ref, denom_ref):
    b = pl.program_id(0)
    s_tot = s_ref[0] + s_ref[1]
    cnt_tot = cnt_ref[0] + cnt_ref[1]
    y = jnp.dot(s_tot, r_ref[...],
                preferred_element_type=jnp.float32) * xw_ref[...]
    y0_ref[...] = y[:, :HALF]
    y1_ref[...] = y[:, HALF:]

    @pl.when(b == 0)
    def _init():
        denom_ref[...] = jnp.zeros_like(denom_ref)

    denom_ref[...] += jnp.sum(s_tot * cnt_tot, axis=0, keepdims=True)


def _tc_mid(s_part, cnt_part, xw, R):
    return pl.pallas_call(
        _tc_mid_body,
        grid=(NBLK,),
        in_specs=[
            pl.BlockSpec((2, BLK, HEADS), lambda b: (0, b, 0)),
            pl.BlockSpec((2, BLK, HEADS), lambda b: (0, b, 0)),
            pl.BlockSpec((BLK, OUT_CH), lambda b: (b, 0)),
            pl.BlockSpec((HEADS, OUT_CH), lambda b: (0, 0)),
        ],
        out_specs=[
            pl.BlockSpec((BLK, HALF), lambda b: (b, 0)),
            pl.BlockSpec((BLK, HALF), lambda b: (b, 0)),
            pl.BlockSpec((1, HEADS), lambda b: (0, 0)),
        ],
        out_shape=[
            jax.ShapeDtypeStruct((N_PAD, HALF), jnp.float32),
            jax.ShapeDtypeStruct((N_PAD, HALF), jnp.float32),
            jax.ShapeDtypeStruct((1, HEADS), jnp.float32),
        ],
    )(s_part, cnt_part, xw, R)


MEMSET_ROWS = 32


def _sc2_body(idxi_hbm, idxj_hbm, y0_hbm, y1_hbm,
              out_part,
              idxi_v, idxj_v, ybuf, zbuf, y_sh, o_sh, gsem, ssem):
    cid = lax.axis_index("c")
    sid = lax.axis_index("s")
    wid = sid * 2 + cid
    row0 = sid * ROWS_PER_TILE

    @plsc.parallel_loop(0, MEMSET_ROWS * (HALF // 16), unroll=8)
    def _fill_zero(i):
        zbuf[i // (HALF // 16), pl.ds((i % (HALF // 16)) * 16, 16)] = (
            jnp.zeros((16,), jnp.float32))

    pltpu.sync_copy(idxi_hbm.at[pl.ds(wid * NCHUNK, NCHUNK)], idxi_v)
    pltpu.sync_copy(idxj_hbm.at[pl.ds(wid * NCHUNK, NCHUNK)], idxj_v)

    for h, y_hbm in enumerate((y0_hbm, y1_hbm)):
        pltpu.sync_copy(y_hbm.at[pl.ds(row0, ROWS_PER_TILE)],
                        y_sh.at[pl.ds(row0, ROWS_PER_TILE)])

        def _memset(k, _):
            pltpu.sync_copy(zbuf, o_sh.at[pl.ds(row0 + k * MEMSET_ROWS,
                                                MEMSET_ROWS)])
            return 0
        lax.fori_loop(0, ROWS_PER_TILE // MEMSET_ROWS, _memset, 0)

        plsc.subcore_barrier()

        pltpu.async_copy(y_sh.at[idxj_v.at[0]], ybuf.at[0], gsem.at[0])

        def _chunk(c, _):
            buf = lax.rem(c, 2)
            nbuf = lax.rem(c + 1, 2)

            @pl.when(c >= 1)
            def _drain_prev():
                pltpu.make_async_copy(ybuf.at[nbuf],
                                      o_sh.at[idxi_v.at[0]],
                                      ssem.at[nbuf]).wait()

            @pl.when(c + 1 < NCHUNK)
            def _prefetch():
                pltpu.async_copy(y_sh.at[idxj_v.at[c + 1]], ybuf.at[nbuf],
                                 gsem.at[nbuf])

            pltpu.make_async_copy(y_sh.at[idxj_v.at[c]], ybuf.at[buf],
                                  gsem.at[buf]).wait()
            pltpu.async_copy(ybuf.at[buf], o_sh.at[idxi_v.at[c]],
                             ssem.at[buf], add=True)
            return 0
        lax.fori_loop(0, NCHUNK, _chunk, 0)

        pltpu.make_async_copy(ybuf.at[1], o_sh.at[idxi_v.at[0]],
                              ssem.at[1]).wait()

        plsc.subcore_barrier()

        pltpu.sync_copy(o_sh.at[pl.ds(row0, ROWS_PER_TILE)],
                        out_part.at[h, cid, pl.ds(row0, ROWS_PER_TILE)])

        plsc.subcore_barrier()


def _sc2(idxi, idxj, y0, y1):
    mesh = plsc.VectorSubcoreMesh(core_axis_name="c", subcore_axis_name="s")
    return pl.kernel(
        _sc2_body,
        out_type=jax.ShapeDtypeStruct((2, 2, N_PAD, HALF), jnp.float32),
        mesh=mesh,
        compiler_params=pltpu.CompilerParams(use_tc_tiling_on_sc=False),
        scratch_types=[
            pltpu.VMEM((NCHUNK, CHUNK), jnp.int32),
            pltpu.VMEM((NCHUNK, CHUNK), jnp.int32),
            pltpu.VMEM((2, CHUNK, HALF), jnp.float32),
            pltpu.VMEM((MEMSET_ROWS, HALF), jnp.float32),
            pltpu.VMEM_SHARED((N_PAD, HALF), jnp.float32),
            pltpu.VMEM_SHARED((N_PAD, HALF), jnp.float32),
            pltpu.SemaphoreType.DMA((2,)),
            pltpu.SemaphoreType.DMA((2,)),
        ],
    )(idxi, idxj, y0, y1)


def _tc_out_body(op_ref, denom_ref, r_ref, bias_ref, out_ref):
    b = pl.program_id(0)
    inv = 1.0 / (denom_ref[...] + 1e-16)
    inv_rep = jnp.dot(inv, r_ref[...],
                      preferred_element_type=jnp.float32)
    bias_row = bias_ref[...]

    @pl.when(b < BND_BLK)
    def _real():
        acc = jnp.concatenate([op_ref[0, 0] + op_ref[0, 1],
                               op_ref[1, 0] + op_ref[1, 1]], axis=-1)
        out_ref[...] = acc * inv_rep + bias_row

    @pl.when(b == BND_BLK)
    def _boundary():
        acc = jnp.concatenate([op_ref[0, 0] + op_ref[0, 1],
                               op_ref[1, 0] + op_ref[1, 1]], axis=-1)
        row = b * BLK_OUT + lax.broadcasted_iota(jnp.int32,
                                                 (BLK_OUT, OUT_CH), 0)
        val = acc * inv_rep + bias_row
        pad = jnp.broadcast_to(bias_row, out_ref.shape)
        out_ref[...] = jnp.where(row < N_NODES, val, pad)

    @pl.when(b > BND_BLK)
    def _pad():
        out_ref[...] = jnp.broadcast_to(bias_row, out_ref.shape)


def _tc_out(out_part, denom, R, bias_row):
    return pl.pallas_call(
        _tc_out_body,
        grid=(NBLK_OUT,),
        in_specs=[
            pl.BlockSpec((2, 2, BLK_OUT, HALF),
                         lambda b: (0, 0, jnp.minimum(b, NBLK_PART - 1), 0)),
            pl.BlockSpec((1, HEADS), lambda b: (0, 0)),
            pl.BlockSpec((HEADS, OUT_CH), lambda b: (0, 0)),
            pl.BlockSpec((1, OUT_CH), lambda b: (0, 0)),
        ],
        out_specs=pl.BlockSpec((BLK_OUT, OUT_CH), lambda b: (b, 0)),
        out_shape=jax.ShapeDtypeStruct((E_EDGES, OUT_CH), jnp.float32),
    )(out_part, denom, R, bias_row)


@jax.jit
def kernel(x, edge_index, W, att, bias):
    x = x.astype(jnp.float32)
    W = W.astype(jnp.float32)
    att = att.astype(jnp.float32)
    bias = bias.astype(jnp.float32)

    eye = jnp.eye(HEADS, dtype=jnp.float32)
    m_src = (att[:, :CPH, None] * eye[:, None, :]).reshape(OUT_CH, HEADS)
    m_dst = (att[:, CPH:, None] * eye[:, None, :]).reshape(OUT_CH, HEADS)
    M = jnp.concatenate([m_src, m_dst], axis=1)
    R = jnp.kron(eye, jnp.ones((1, CPH), jnp.float32))

    x_pad = jnp.zeros((N_PAD, IN_CH), jnp.float32).at[:N_NODES].set(x)

    idx_i = edge_index[0].astype(jnp.int32)
    idx_j = edge_index[1].astype(jnp.int32)
    pad_n = E_PADDED - E_EDGES
    idx_i_p = jnp.concatenate(
        [idx_i, jnp.full((pad_n,), N_NODES, jnp.int32)]
    ).reshape(NTILES * NCHUNK, CHUNK)
    idx_j_p = jnp.concatenate(
        [idx_j, jnp.full((pad_n,), N_NODES + 1, jnp.int32)]
    ).reshape(NTILES * NCHUNK, CHUNK)

    xw, ssrc, sdst = _tc_lin(x_pad, W, M)
    s_part, cnt_part = _sc1(idx_i_p, idx_j_p, ssrc, sdst)
    y0, y1, denom = _tc_mid(s_part, cnt_part, xw, R)
    out_part = _sc2(idx_i_p, idx_j_p, y0, y1)
    out = _tc_out(out_part, denom, R, bias.reshape(1, OUT_CH))
    return out

# --- scband reference (transcript-rebuilt; emitter-appended) ---
"""Pipeline reference for scband-gatconv-15006615733819 (READ-ONLY COPY).

The authoritative reference and input builder live on the scoring server;
editing this copy changes nothing except your own understanding.
"""

import jax, jax.numpy as jnp
import numpy as np

IN_CH = 256
OUT_CH = 128
HEADS = 16
C = OUT_CH // HEADS  # 8, per-head channels after concat split
N = 10000
E = 160000

def setup_inputs(seed: int = 0) -> dict:
    key = jax.random.key(seed)
    k1, k2, k3, k4 = jax.random.split(key, 4)
    x = jax.random.normal(k1, (N, IN_CH), dtype=jnp.float32)
    edge_index = jax.random.randint(k2, (2, E), 0, N)
    limit_w = float(np.sqrt(6.0 / (IN_CH + HEADS * C)))
    W = jax.random.uniform(k3, (IN_CH, HEADS * C), minval=-limit_w, maxval=limit_w, dtype=jnp.float32)
    limit_a = float(np.sqrt(6.0 / (2 * C + HEADS)))
    att = jax.random.uniform(k4, (2 * C, HEADS), minval=-limit_a, maxval=limit_a, dtype=jnp.float32)
    bias = jnp.zeros((HEADS * C,), dtype=jnp.float32)
    return {"x": x, "edge_index": edge_index, "W": W, "att": att, "bias": bias}

def reference(x, edge_index, W, att, bias):
    idx_i = edge_index[0]
    idx_j = edge_index[1]
    xw = jnp.matmul(x, W).reshape(-1, HEADS, C)
    h_i = xw[idx_i]
    h_j = xw[idx_j]
    h_comb = jnp.concatenate([h_i, h_j], axis=-1).reshape(-1, HEADS, 2 * C)
    # faithful to torch broadcast: [E, H, 2C] * [1, 2C, H] requires H == 2C (16 == 16)
    e = jnp.sum(h_comb * att[None, :, :], axis=-1)
    e = jax.nn.leaky_relu(e, negative_slope=0.2)
    En = idx_i.shape[0]
    alpha = jnp.zeros((En, HEADS), dtype=x.dtype).at[idx_i].add(jnp.exp(e))
    alpha = alpha[idx_j]
    alpha = alpha / (alpha.sum(axis=0, keepdims=True) + 1e-16)
    h_j = h_j * alpha[:, :, None]
    out = jnp.zeros_like(h_j).at[idx_i].add(h_j)
    out = out.reshape(-1, HEADS * C)
    out = out + bias
    return out

if __name__ == "__main__":
    import jax
    _d = setup_inputs()
    print(jax.jit(kernel)(*tuple(_d.values())))

</pallas_src>

<mosaic_0001>
#map = affine_map<(d0, d1) -> (0, 0)>
#map1 = affine_map<(d0, d1) -> (0, 0, 0, 0)>
module attributes {stable_mosaic.version = 14 : i64} {
  func.func @_sc2_body(%arg0: i32, %arg1: i32, %arg2: memref<1280x128xi32, #tpu.memory_space<hbm>>, %arg3: memref<1280x128xi32, #tpu.memory_space<hbm>>, %arg4: memref<10240x64xf32, #tpu.memory_space<hbm>>, %arg5: memref<10240x64xf32, #tpu.memory_space<hbm>>, %arg6: memref<2x2x10240x64xf32, #tpu.memory_space<hbm>>, %arg7: memref<40x128xi32, #tpu.memory_space<vmem>>, %arg8: memref<40x128xi32, #tpu.memory_space<vmem>>, %arg9: memref<2x128x64xf32, #tpu.memory_space<vmem>>, %arg10: memref<32x64xf32, #tpu.memory_space<vmem>>, %arg11: memref<10240x64xf32, #tpu.memory_space<vmem_shared>>, %arg12: memref<10240x64xf32, #tpu.memory_space<vmem_shared>>, %arg13: memref<2x!tpu.dma_semaphore, #tpu.memory_space<semaphore_mem>>, %arg14: memref<2x!tpu.dma_semaphore, #tpu.memory_space<semaphore_mem>>) attributes {dimension_semantics = [#tpu.dimension_semantics<core_parallel>, #tpu.dimension_semantics<subcore_parallel>], iteration_bounds = array<i64: 2, 16>, scalar_prefetch = 0 : i64, scratch_operands = 8 : i64, tpu.core_type = #tpu.core_type<sc_vector_subcore>, window_params = [{transform_indices = #map}, {transform_indices = #map}, {transform_indices = #map}, {transform_indices = #map}, {transform_indices = #map1}]} {
    %mul3A = arith.constant 2 : i32
    %mul3A_0 = arith.muli %arg1, %mul3A : i32
    %add3A = arith.addi %mul3A_0, %arg0 : i32
    %mul3A_1 = arith.constant 640 : i32
    %mul3A_2 = arith.muli %arg1, %mul3A_1 : i32
    %parallel_loop3A = arith.constant 0 : i32
    %parallel_loop3A_3 = arith.constant 128 : i32
    %parallel_loop3A_4 = arith.constant 1 : i32
    scf.for %parallel_loop3A_100 = %parallel_loop3A to %parallel_loop3A_3 step %parallel_loop3A_4  : i32 {
      %parallel_loop3A_101 = arith.constant 0.000000e+00 : f32
      %parallel_loop3A_102 = vector.broadcast %parallel_loop3A_101 : f32 to vector<16xf32>
      %parallel_loop3A_103 = arith.constant 4 : i32
      %parallel_loop3A_104 = arith.divsi %parallel_loop3A_100, %parallel_loop3A_103 : i32
      %parallel_loop3A_105 = arith.constant 0 : i32
      %parallel_loop3A_106 = arith.cmpi sgt, %parallel_loop3A_100, %parallel_loop3A_105 : i32
      %parallel_loop3A_107 = arith.extui %parallel_loop3A_106 : i1 to i32
      %parallel_loop3A_108 = arith.constant 0 : i32
      %parallel_loop3A_109 = arith.cmpi slt, %parallel_loop3A_100, %parallel_loop3A_108 : i32
      %parallel_loop3A_110 = arith.extui %parallel_loop3A_109 : i1 to i32
      %parallel_loop3A_111 = arith.subi %parallel_loop3A_107, %parallel_loop3A_110 : i32
      %parallel_loop3A_112 = arith.constant 0 : i32
      %parallel_loop3A_113 = arith.cmpi sgt, %parallel_loop3A_103, %parallel_loop3A_112 : i32
      %parallel_loop3A_114 = arith.extui %parallel_loop3A_113 : i1 to i32
      %parallel_loop3A_115 = arith.constant 0 : i32
      %parallel_loop3A_116 = arith.cmpi slt, %parallel_loop3A_103, %parallel_loop3A_115 : i32
      %parallel_loop3A_117 = arith.extui %parallel_loop3A_116 : i1 to i32
      %parallel_loop3A_118 = arith.subi %parallel_loop3A_114, %parallel_loop3A_117 : i32
      %parallel_loop3A_119 = arith.cmpi ne, %parallel_loop3A_111, %parallel_loop3A_118 : i32
      %parallel_loop3A_120 = arith.remsi %parallel_loop3A_100, %parallel_loop3A_103 : i32
      %parallel_loop3A_121 = arith.constant 0 : i32
      %parallel_loop3A_122 = arith.cmpi ne, %parallel_loop3A_120, %parallel_loop3A_121 : i32
      %parallel_loop3A_123 = arith.andi %parallel_loop3A_119, %parallel_loop3A_122 : i1
      %parallel_loop3A_124 = arith.constant 1 : i32
      %parallel_loop3A_125 = arith.subi %parallel_loop3A_104, %parallel_loop3A_124 : i32
      %parallel_loop3A_126 = arith.select %parallel_loop3A_123, %parallel_loop3A_125, %parallel_loop3A_104 : i32
      %parallel_loop3A_127 = arith.constant 4 : i32
      %parallel_loop3A_128 = arith.constant 0 : i32
      %parallel_loop3A_129 = arith.cmpi eq, %parallel_loop3A_127, %parallel_loop3A_128 : i32
      %parallel_loop3A_130 = arith.constant 1 : i32
      %parallel_loop3A_131 = arith.select %parallel_loop3A_129, %parallel_loop3A_130, %parallel_loop3A_127 : i32
      %parallel_loop3A_132 = arith.remsi %parallel_loop3A_100, %parallel_loop3A_131 : i32
      %parallel_loop3A_133 = arith.constant 0 : i32
      %parallel_loop3A_134 = arith.cmpi ne, %parallel_loop3A_132, %parallel_loop3A_133 : i32
      %parallel_loop3A_135 = arith.constant 0 : i32
      %parallel_loop3A_136 = arith.cmpi slt, %parallel_loop3A_132, %parallel_loop3A_135 : i32
      %parallel_loop3A_137 = arith.constant 0 : i32
      %parallel_loop3A_138 = arith.cmpi slt, %parallel_loop3A_131, %parallel_loop3A_137 : i32
      %parallel_loop3A_139 = arith.xori %parallel_loop3A_136, %parallel_loop3A_138 : i1
      %parallel_loop3A_140 = arith.andi %parallel_loop3A_139, %parallel_loop3A_134 : i1
      %parallel_loop3A_141 = arith.addi %parallel_loop3A_132, %parallel_loop3A_131 : i32
      %parallel_loop3A_142 = arith.select %parallel_loop3A_140, %parallel_loop3A_141, %parallel_loop3A_132 : i32
      %parallel_loop3A_143 = arith.constant 16 : i32
      %parallel_loop3A_144 = arith.muli %parallel_loop3A_142, %parallel_loop3A_143 : i32
      %parallel_loop3A_145 = arith.index_cast %parallel_loop3A_126 : i32 to index
      %parallel_loop3A_146 = arith.index_cast %parallel_loop3A_144 : i32 to index
      %parallel_loop3A_147 = tpu.vector_load %arg10[%parallel_loop3A_145, %parallel_loop3A_146] {strides = array<i32>} : memref<32x64xf32, #tpu.memory_space<vmem>>, vector<1x16xf32>,
      %parallel_loop3A_148 = vector.shape_cast %parallel_loop3A_147 : vector<1x16xf32> to vector<16xf32>
      %parallel_loop3A_149 = vector.shape_cast %parallel_loop3A_102 : vector<16xf32> to vector<1x16xf32>
      tpu.vector_store %arg10[%parallel_loop3A_145, %parallel_loop3A_146], %parallel_loop3A_149 {strides = array<i32>} : memref<32x64xf32, #tpu.memory_space<vmem>>, vector<1x16xf32>,
    } {sc.loop_unroll_factor = 8 : i64, sc.parallel_access}
    %mul3A_5 = arith.constant 40 : i32
    %mul3A_6 = arith.muli %add3A, %mul3A_5 : i32
    "tpu.region"() ({
      %run_scoped3A_100 = tpu.sem_alloc : memref<!tpu.dma_semaphore, #tpu.memory_space<semaphore_mem>>
      %dma_start3A_101 = arith.constant 0 : i32
      %dma_start3A_102 = tpu.memref_slice %arg2[%mul3A_6, %dma_start3A_101] : memref<1280x128xi32, #tpu.memory_space<hbm>> -> memref<40x128xi32, #tpu.memory_space<hbm>>
      %dma_start3A_103 = arith.constant 0 : i32
      %dma_start3A_104 = tpu.memref_slice %arg2[%mul3A_6, %dma_start3A_103] : memref<1280x128xi32, #tpu.memory_space<hbm>> -> memref<40x128xi32, #tpu.memory_space<hbm>>
      tpu.enqueue_dma source(%dma_start3A_104 : memref<40x128xi32, #tpu.memory_space<hbm>>) target(%arg7 : memref<40x128xi32, #tpu.memory_space<vmem>>) target_semaphore(%run_scoped3A_100 : memref<!tpu.dma_semaphore, #tpu.memory_space<semaphore_mem>>)
      %dma_wait3A_105 = arith.constant 0 : i32
      %dma_wait3A_106 = tpu.memref_slice %arg2[%mul3A_6, %dma_wait3A_105] : memref<1280x128xi32, #tpu.memory_space<hbm>> -> memref<40x128xi32, #tpu.memory_space<hbm>>
      %dma_wait3A_107 = arith.constant 0 : i32
      %dma_wait3A_108 = tpu.memref_slice %arg2[%mul3A_6, %dma_wait3A_107] : memref<1280x128xi32, #tpu.memory_space<hbm>> -> memref<40x128xi32, #tpu.memory_space<hbm>>
      tpu.wait_dma2 semaphore(%run_scoped3A_100 : memref<!tpu.dma_semaphore, #tpu.memory_space<semaphore_mem>>) src(%dma_wait3A_108 : memref<40x128xi32, #tpu.memory_space<hbm>>) dst(%arg7 : memref<40x128xi32, #tpu.memory_space<vmem>>)
      tpu.yield
    }) : () -> ()
    %mul3A_7 = arith.constant 40 : i32
    %mul3A_8 = arith.muli %add3A, %mul3A_7 : i32
    "tpu.region"() ({
      %run_scoped3A_100 = tpu.sem_alloc : memref<!tpu.dma_semaphore, #tpu.memory_space<semaphore_mem>>
      %dma_start3A_101 = arith.constant 0 : i32
      %dma_start3A_102 = tpu.memref_slice %arg3[%mul3A_8, %dma_start3A_101] : memref<1280x128xi32, #tpu.memory_space<hbm>> -> memref<40x128xi32, #tpu.memory_space<hbm>>
      %dma_start3A_103 = arith.constant 0 : i32
      %dma_start3A_104 = tpu.memref_slice %arg3[%mul3A_8, %dma_start3A_103] : memref<1280x128xi32, #tpu.memory_space<hbm>> -> memref<40x128xi32, #tpu.memory_space<hbm>>
      tpu.enqueue_dma source(%dma_start3A_104 : memref<40x128xi32, #tpu.memory_space<hbm>>) target(%arg8 : memref<40x128xi32, #tpu.memory_space<vmem>>) target_semaphore(%run_scoped3A_100 : memref<!tpu.dma_semaphore, #tpu.memory_space<semaphore_mem>>)
      %dma_wait3A_105 = arith.constant 0 : i32
      %dma_wait3A_106 = tpu.memref_slice %arg3[%mul3A_8, %dma_wait3A_105] : memref<1280x128xi32, #tpu.memory_space<hbm>> -> memref<40x128xi32, #tpu.memory_space<hbm>>
      %dma_wait3A_107 = arith.constant 0 : i32
      %dma_wait3A_108 = tpu.memref_slice %arg3[%mul3A_8, %dma_wait3A_107] : memref<1280x128xi32, #tpu.memory_space<hbm>> -> memref<40x128xi32, #tpu.memory_space<hbm>>
      tpu.wait_dma2 semaphore(%run_scoped3A_100 : memref<!tpu.dma_semaphore, #tpu.memory_space<semaphore_mem>>) src(%dma_wait3A_108 : memref<40x128xi32, #tpu.memory_space<hbm>>) dst(%arg8 : memref<40x128xi32, #tpu.memory_space<vmem>>)
      tpu.yield
    }) : () -> ()
    "tpu.region"() ({
      %run_scoped3A_100 = tpu.sem_alloc : memref<!tpu.dma_semaphore, #tpu.memory_space<semaphore_mem>>
      %dma_start3A_101 = arith.constant 0 : i32
      %dma_start3A_102 = tpu.memref_slice %arg11[%mul3A_2, %dma_start3A_101] : memref<10240x64xf32, #tpu.memory_space<vmem_shared>> -> memref<640x64xf32, #tpu.memory_space<vmem_shared>>
      %dma_start3A_103 = arith.constant 0 : i32
      %dma_start3A_104 = tpu.memref_slice %arg4[%mul3A_2, %dma_start3A_103] : memref<10240x64xf32, #tpu.memory_space<hbm>> -> memref<640x64xf32, #tpu.memory_space<hbm>>
      tpu.enqueue_dma source(%dma_start3A_104 : memref<640x64xf32, #tpu.memory_space<hbm>>) target(%dma_start3A_102 : memref<640x64xf32, #tpu.memory_space<vmem_shared>>) target_semaphore(%run_scoped3A_100 : memref<!tpu.dma_semaphore, #tpu.memory_space<semaphore_mem>>)
      %dma_wait3A_105 = arith.constant 0 : i32
      %dma_wait3A_106 = tpu.memref_slice %arg11[%mul3A_2, %dma_wait3A_105] : memref<10240x64xf32, #tpu.memory_space<vmem_shared>> -> memref<640x64xf32, #tpu.memory_space<vmem_shared>>
      %dma_wait3A_107 = arith.constant 0 : i32
      %dma_wait3A_108 = tpu.memref_slice %arg4[%mul3A_2, %dma_wait3A_107] : memref<10240x64xf32, #tpu.memory_space<hbm>> -> memref<640x64xf32, #tpu.memory_space<hbm>>
      tpu.wait_dma2 semaphore(%run_scoped3A_100 : memref<!tpu.dma_semaphore, #tpu.memory_space<semaphore_mem>>) src(%dma_wait3A_108 : memref<640x64xf32, #tpu.memory_space<hbm>>) dst(%dma_wait3A_106 : memref<640x64xf32, #tpu.memory_space<vmem_shared>>)
      tpu.yield
    }) : () -> ()
    %scan3A = arith.constant 0 : i32
    %scan3A_9 = arith.constant 0 : i32
    %scan3A_10 = arith.constant 20 : i32
    %scan3A_11 = arith.addi %scan3A_9, %scan3A_10 : i32
    %scan3A_12 = arith.constant 1 : i32
    %scan3A_13 = scf.for %scan3A_100 = %scan3A_9 to %scan3A_11 step %scan3A_12 iter_args(%scan3A_101 = %scan3A) -> (i32)  : i32 {
      %mul3A_102 = arith.constant 32 : i32
      %mul3A_103 = arith.muli %scan3A_100, %mul3A_102 : i32
      %add3A_104 = arith.addi %mul3A_2, %mul3A_103 : i32
      "tpu.region"() ({
        %run_scoped3A_106 = tpu.sem_alloc : memref<!tpu.dma_semaphore, #tpu.memory_space<semaphore_mem>>
        %dma_start3A_107 = arith.constant 0 : i32
        %dma_start3A_108 = tpu.memref_slice %arg12[%add3A_104, %dma_start3A_107] : memref<10240x64xf32, #tpu.memory_space<vmem_shared>> -> memref<32x64xf32, #tpu.memory_space<vmem_shared>>
        %dma_start3A_109 = arith.constant 0 : i32
        %dma_start3A_110 = tpu.memref_slice %arg12[%add3A_104, %dma_start3A_109] : memref<10240x64xf32, #tpu.memory_space<vmem_shared>> -> memref<32x64xf32, #tpu.memory_space<vmem_shared>>
        tpu.enqueue_dma source(%arg10 : memref<32x64xf32, #tpu.memory_space<vmem>>) target(%dma_start3A_110 : memref<32x64xf32, #tpu.memory_space<vmem_shared>>) target_semaphore(%run_scoped3A_106 : memref<!tpu.dma_semaphore, #tpu.memory_space<semaphore_mem>>)
        %dma_wait3A_111 = arith.constant 0 : i32
        %dma_wait3A_112 = tpu.memref_slice %arg12[%add3A_104, %dma_wait3A_111] : memref<10240x64xf32, #tpu.memory_space<vmem_shared>> -> memref<32x64xf32, #tpu.memory_space<vmem_shared>>
        %dma_wait3A_113 = arith.constant 0 : i32
        %dma_wait3A_114 = tpu.memref_slice %arg12[%add3A_104, %dma_wait3A_113] : memref<10240x64xf32, #tpu.memory_space<vmem_shared>> -> memref<32x64xf32, #tpu.memory_space<vmem_shared>>
        tpu.wait_dma2 semaphore(%run_scoped3A_106 : memref<!tpu.dma_semaphore, #tpu.memory_space<semaphore_mem>>) src(%arg10 : memref<32x64xf32, #tpu.memory_space<vmem>>) dst(%dma_wait3A_114 : memref<32x64xf32, #tpu.memory_space<vmem_shared>>)
        tpu.yield
      }) : () -> ()
      %scan3A_105 = arith.constant 0 : i32
      scf.yield %scan3A_105 : i32
    }
    %scan3A_14 = arith.constant 20 : i32
    %barrier3A = arith.constant 0 : index
    tpu.barrier barrier_id(%barrier3A)
    %dma_start3A = arith.constant 0 : i32
    %dma_start3A_15 = arith.constant 0 : i32
    %dma_start3A_16 = arith.constant 0 : i32
    %dma_start3A_17 = arith.constant 0 : i32
    %dma_start3A_18 = arith.constant 0 : i32
    %dma_start3A_19 = tpu.memref_slice %arg9[%dma_start3A_15, %dma_start3A_17, %dma_start3A_18] : memref<2x128x64xf32, #tpu.memory_space<vmem>> -> memref<1x128x64xf32, #tpu.memory_space<vmem>>
    %dma_start3A_20 = tpu.memref_squeeze %dma_start3A_19 : memref<1x128x64xf32, #tpu.memory_space<vmem>> -> memref<128x64xf32, #tpu.memory_space<vmem>>
    %dma_start3A_21 = arith.constant 0 : i32
    %dma_start3A_22 = tpu.memref_slice %arg8[%dma_start3A, %dma_start3A_21] : memref<40x128xi32, #tpu.memory_space<vmem>> -> memref<1x128xi32, #tpu.memory_space<vmem>>
    %dma_start3A_23 = tpu.memref_squeeze %dma_start3A_22 : memref<1x128xi32, #tpu.memory_space<vmem>> -> memref<128xi32, #tpu.memory_space<vmem>>
    %dma_start3A_24 = arith.constant 0 : i32
    %dma_start3A_25 = arith.constant 0 : i32
    %dma_start3A_26 = tpu.memref_slice %arg11[%dma_start3A_24, %dma_start3A_25] : memref<10240x64xf32, #tpu.memory_space<vmem_shared>> -> memref<10240x64xf32, #tpu.memory_space<vmem_shared>>
    %dma_start3A_27 = tpu.memref_slice %arg13[%dma_start3A_16] : memref<2x!tpu.dma_semaphore, #tpu.memory_space<semaphore_mem>> -> memref<1x!tpu.dma_semaphore, #tpu.memory_space<semaphore_mem>>
    %dma_start3A_28 = tpu.memref_squeeze %dma_start3A_27 : memref<1x!tpu.dma_semaphore, #tpu.memory_space<semaphore_mem>> -> memref<!tpu.dma_semaphore, #tpu.memory_space<semaphore_mem>>
    tpu.enqueue_indirect_dma source(%dma_start3A_26 : memref<10240x64xf32, #tpu.memory_space<vmem_shared>>) target(%dma_start3A_20 : memref<128x64xf32, #tpu.memory_space<vmem>>) offsets(%dma_start3A_23 : memref<128xi32, #tpu.memory_space<vmem>>) semaphore(%dma_start3A_28 : memref<!tpu.dma_semaphore, #tpu.memory_space<semaphore_mem>>)
    %scan3A_29 = arith.constant 0 : i32
    %scan3A_30 = arith.constant 0 : i32
    %scan3A_31 = arith.constant 40 : i32
    %scan3A_32 = arith.addi %scan3A_30, %scan3A_31 : i32
    %scan3A_33 = arith.constant 1 : i32
    %scan3A_34 = scf.for %scan3A_100 = %scan3A_30 to %scan3A_32 step %scan3A_33 iter_args(%scan3A_101 = %scan3A_29) -> (i32)  : i32 {
      %rem3A = arith.constant 2 : i32
      %rem3A_102 = arith.remsi %scan3A_100, %rem3A : i32
      %add3A_103 = arith.constant 1 : i32
      %add3A_104 = arith.addi %scan3A_100, %add3A_103 : i32
      %rem3A_105 = arith.constant 2 : i32
      %rem3A_106 = arith.remsi %add3A_104, %rem3A_105 : i32
      %ge3A = arith.constant 1 : i32
      %ge3A_107 = arith.cmpi sge, %scan3A_100, %ge3A : i32
      %convert_element_type3A = arith.extui %ge3A_107 : i1 to i32
      %cond3A = arith.constant 0 : i32
      %cond3A_108 = arith.cmpi ne, %convert_element_type3A, %cond3A : i32
      scf.if %cond3A_108 {
        %dma_wait3A_140 = arith.constant 0 : i32
        %dma_wait3A_141 = arith.constant 0 : i32
        %dma_wait3A_142 = arith.constant 0 : i32
        %dma_wait3A_143 = tpu.memref_slice %arg9[%rem3A_106, %dma_wait3A_141, %dma_wait3A_142] : memref<2x128x64xf32, #tpu.memory_space<vmem>> -> memref<1x128x64xf32, #tpu.memory_space<vmem>>
        %dma_wait3A_144 = tpu.memref_squeeze %dma_wait3A_143 : memref<1x128x64xf32, #tpu.memory_space<vmem>> -> memref<128x64xf32, #tpu.memory_space<vmem>>
        %dma_wait3A_145 = arith.constant 0 : i32
        %dma_wait3A_146 = tpu.memref_slice %arg7[%dma_wait3A_140, %dma_wait3A_145] : memref<40x128xi32, #tpu.memory_space<vmem>> -> memref<1x128xi32, #tpu.memory_space<vmem>>
        %dma_wait3A_147 = tpu.memref_squeeze %dma_wait3A_146 : memref<1x128xi32, #tpu.memory_space<vmem>> -> memref<128xi32, #tpu.memory_space<vmem>>
        %dma_wait3A_148 = arith.constant 0 : i32
        %dma_wait3A_149 = arith.constant 0 : i32
        %dma_wait3A_150 = tpu.memref_slice %arg12[%dma_wait3A_148, %dma_wait3A_149] : memref<10240x64xf32, #tpu.memory_space<vmem_shared>> -> memref<10240x64xf32, #tpu.memory_space<vmem_shared>>
        %dma_wait3A_151 = tpu.memref_slice %arg14[%rem3A_106] : memref<2x!tpu.dma_semaphore, #tpu.memory_space<semaphore_mem>> -> memref<1x!tpu.dma_semaphore, #tpu.memory_space<semaphore_mem>>
        %dma_wait3A_152 = tpu.memref_squeeze %dma_wait3A_151 : memref<1x!tpu.dma_semaphore, #tpu.memory_space<semaphore_mem>> -> memref<!tpu.dma_semaphore, #tpu.memory_space<semaphore_mem>>
        tpu.wait_indirect_dma semaphore(%dma_wait3A_152 : memref<!tpu.dma_semaphore, #tpu.memory_space<semaphore_mem>>) src(%dma_wait3A_144 : memref<128x64xf32, #tpu.memory_space<vmem>>) dst(%dma_wait3A_150 : memref<10240x64xf32, #tpu.memory_space<vmem_shared>>)
      } else {
      }
      %add3A_109 = arith.constant 1 : i32
      %add3A_110 = arith.addi %scan3A_100, %add3A_109 : i32
      %lt3A = arith.constant 40 : i32
      %lt3A_111 = arith.cmpi slt, %add3A_110, %lt3A : i32
      %convert_element_type3A_112 = arith.extui %lt3A_111 : i1 to i32
      %cond3A_113 = arith.constant 0 : i32
      %cond3A_114 = arith.cmpi ne, %convert_element_type3A_112, %cond3A_113 : i32
      scf.if %cond3A_114 {
        %add3A_140 = arith.constant 1 : i32
        %add3A_141 = arith.addi %scan3A_100, %add3A_140 : i32
        %dma_start3A_142 = arith.constant 0 : i32
        %dma_start3A_143 = arith.constant 0 : i32
        %dma_start3A_144 = tpu.memref_slice %arg9[%rem3A_106, %dma_start3A_142, %dma_start3A_143] : memref<2x128x64xf32, #tpu.memory_space<vmem>> -> memref<1x128x64xf32, #tpu.memory_space<vmem>>
        %dma_start3A_145 = tpu.memref_squeeze %dma_start3A_144 : memref<1x128x64xf32, #tpu.memory_space<vmem>> -> memref<128x64xf32, #tpu.memory_space<vmem>>
        %dma_start3A_146 = arith.constant 0 : i32
        %dma_start3A_147 = tpu.memref_slice %arg8[%add3A_141, %dma_start3A_146] : memref<40x128xi32, #tpu.memory_space<vmem>> -> memref<1x128xi32, #tpu.memory_space<vmem>>
        %dma_start3A_148 = tpu.memref_squeeze %dma_start3A_147 : memref<1x128xi32, #tpu.memory_space<vmem>> -> memref<128xi32, #tpu.memory_space<vmem>>
        %dma_start3A_149 = arith.constant 0 : i32
        %dma_start3A_150 = arith.constant 0 : i32
        %dma_start3A_151 = tpu.memref_slice %arg11[%dma_start3A_149, %dma_start3A_150] : memref<10240x64xf32, #tpu.memory_space<vmem_shared>> -> memref<10240x64xf32, #tpu.memory_space<vmem_shared>>
        %dma_start3A_152 = tpu.memref_slice %arg13[%rem3A_106] : memref<2x!tpu.dma_semaphore, #tpu.memory_space<semaphore_mem>> -> memref<1x!tpu.dma_semaphore, #tpu.memory_space<semaphore_mem>>
        %dma_start3A_153 = tpu.memref_squeeze %dma_start3A_152 : memref<1x!tpu.dma_semaphore, #tpu.memory_space<semaphore_mem>> -> memref<!tpu.dma_semaphore, #tpu.memory_space<semaphore_mem>>
        tpu.enqueue_indirect_dma source(%dma_start3A_151 : memref<10240x64xf32, #tpu.memory_space<vmem_shared>>) target(%dma_start3A_145 : memref<128x64xf32, #tpu.memory_space<vmem>>) offsets(%dma_start3A_148 : memref<128xi32, #tpu.memory_space<vmem>>) semaphore(%dma_start3A_153 : memref<!tpu.dma_semaphore, #tpu.memory_space<semaphore_mem>>)
      } else {
      }
      %dma_wait3A_115 = arith.constant 0 : i32
      %dma_wait3A_116 = arith.constant 0 : i32
      %dma_wait3A_117 = tpu.memref_slice %arg9[%rem3A_102, %dma_wait3A_115, %dma_wait3A_116] : memref<2x128x64xf32, #tpu.memory_space<vmem>> -> memref<1x128x64xf32, #tpu.memory_space<vmem>>
      %dma_wait3A_118 = tpu.memref_squeeze %dma_wait3A_117 : memref<1x128x64xf32, #tpu.memory_space<vmem>> -> memref<128x64xf32, #tpu.memory_space<vmem>>
      %dma_wait3A_119 = arith.constant 0 : i32
      %dma_wait3A_120 = tpu.memref_slice %arg8[%scan3A_100, %dma_wait3A_119] : memref<40x128xi32, #tpu.memory_space<vmem>> -> memref<1x128xi32, #tpu.memory_space<vmem>>
      %dma_wait3A_121 = tpu.memref_squeeze %dma_wait3A_120 : memref<1x128xi32, #tpu.memory_space<vmem>> -> memref<128xi32, #tpu.memory_space<vmem>>
      %dma_wait3A_122 = arith.constant 0 : i32
      %dma_wait3A_123 = arith.constant 0 : i32
      %dma_wait3A_124 = tpu.memref_slice %arg11[%dma_wait3A_122, %dma_wait3A_123] : memref<10240x64xf32, #tpu.memory_space<vmem_shared>> -> memref<10240x64xf32, #tpu.memory_space<vmem_shared>>
      %dma_wait3A_125 = tpu.memref_slice %arg13[%rem3A_102] : memref<2x!tpu.dma_semaphore, #tpu.memory_space<semaphore_mem>> -> memref<1x!tpu.dma_semaphore, #tpu.memory_space<semaphore_mem>>
      %dma_wait3A_126 = tpu.memref_squeeze %dma_wait3A_125 : memref<1x!tpu.dma_semaphore, #tpu.memory_space<semaphore_mem>> -> memref<!tpu.dma_semaphore, #tpu.memory_space<semaphore_mem>>
      tpu.wait_indirect_dma semaphore(%dma_wait3A_126 : memref<!tpu.dma_semaphore, #tpu.memory_space<semaphore_mem>>) src(%dma_wait3A_124 : memref<10240x64xf32, #tpu.memory_space<vmem_shared>>) dst(%dma_wait3A_118 : memref<128x64xf32, #tpu.memory_space<vmem>>)
      %dma_start3A_127 = arith.constant 0 : i32
      %dma_start3A_128 = arith.constant 0 : i32
      %dma_start3A_129 = tpu.memref_slice %arg9[%rem3A_102, %dma_start3A_127, %dma_start3A_128] : memref<2x128x64xf32, #tpu.memory_space<vmem>> -> memref<1x128x64xf32, #tpu.memory_space<vmem>>
      %dma_start3A_130 = tpu.memref_squeeze %dma_start3A_129 : memref<1x128x64xf32, #tpu.memory_space<vmem>> -> memref<128x64xf32, #tpu.memory_space<vmem>>
      %dma_start3A_131 = arith.constant 0 : i32
      %dma_start3A_132 = tpu.memref_slice %arg7[%scan3A_100, %dma_start3A_131] : memref<40x128xi32, #tpu.memory_space<vmem>> -> memref<1x128xi32, #tpu.memory_space<vmem>>
      %dma_start3A_133 = tpu.memref_squeeze %dma_start3A_132 : memref<1x128xi32, #tpu.memory_space<vmem>> -> memref<128xi32, #tpu.memory_space<vmem>>
      %dma_start3A_134 = arith.constant 0 : i32
      %dma_start3A_135 = arith.constant 0 : i32
      %dma_start3A_136 = tpu.memref_slice %arg12[%dma_start3A_134, %dma_start3A_135] : memref<10240x64xf32, #tpu.memory_space<vmem_shared>> -> memref<10240x64xf32, #tpu.memory_space<vmem_shared>>
      %dma_start3A_137 = tpu.memref_slice %arg14[%rem3A_102] : memref<2x!tpu.dma_semaphore, #tpu.memory_space<semaphore_mem>> -> memref<1x!tpu.dma_semaphore, #tpu.memory_space<semaphore_mem>>
      %dma_start3A_138 = tpu.memref_squeeze %dma_start3A_137 : memref<1x!tpu.dma_semaphore, #tpu.memory_space<semaphore_mem>> -> memref<!tpu.dma_semaphore, #tpu.memory_space<semaphore_mem>>
      tpu.enqueue_indirect_dma source(%dma_start3A_130 : memref<128x64xf32, #tpu.memory_space<vmem>>) target(%dma_start3A_136 : memref<10240x64xf32, #tpu.memory_space<vmem_shared>>) offsets(%dma_start3A_133 : memref<128xi32, #tpu.memory_space<vmem>>) semaphore(%dma_start3A_138 : memref<!tpu.dma_semaphore, #tpu.memory_space<semaphore_mem>>) {add = true}
      %scan3A_139 = arith.constant 0 : i32
      scf.yield %scan3A_139 : i32
    }
    %scan3A_35 = arith.constant 40 : i32
    %dma_wait3A = arith.constant 1 : i32
    %dma_wait3A_36 = arith.constant 0 : i32
    %dma_wait3A_37 = arith.constant 1 : i32
    %dma_wait3A_38 = arith.constant 0 : i32
    %dma_wait3A_39 = arith.constant 0 : i32
    %dma_wait3A_40 = tpu.memref_slice %arg9[%dma_wait3A, %dma_wait3A_38, %dma_wait3A_39] : memref<2x128x64xf32, #tpu.memory_space<vmem>> -> memref<1x128x64xf32, #tpu.memory_space<vmem>>
    %dma_wait3A_41 = tpu.memref_squeeze %dma_wait3A_40 : memref<1x128x64xf32, #tpu.memory_space<vmem>> -> memref<128x64xf32, #tpu.memory_space<vmem>>
    %dma_wait3A_42 = arith.constant 0 : i32
    %dma_wait3A_43 = tpu.memref_slice %arg7[%dma_wait3A_36, %dma_wait3A_42] : memref<40x128xi32, #tpu.memory_space<vmem>> -> memref<1x128xi32, #tpu.memory_space<vmem>>
    %dma_wait3A_44 = tpu.memref_squeeze %dma_wait3A_43 : memref<1x128xi32, #tpu.memory_space<vmem>> -> memref<128xi32, #tpu.memory_space<vmem>>
    %dma_wait3A_45 = arith.constant 0 : i32
    %dma_wait3A_46 = arith.constant 0 : i32
    %dma_wait3A_47 = tpu.memref_slice %arg12[%dma_wait3A_45, %dma_wait3A_46] : memref<10240x64xf32, #tpu.memory_space<vmem_shared>> -> memref<10240x64xf32, #tpu.memory_space<vmem_shared>>
    %dma_wait3A_48 = tpu.memref_slice %arg14[%dma_wait3A_37] : memref<2x!tpu.dma_semaphore, #tpu.memory_space<semaphore_mem>> -> memref<1x!tpu.dma_semaphore, #tpu.memory_space<semaphore_mem>>
    %dma_wait3A_49 = tpu.memref_squeeze %dma_wait3A_48 : memref<1x!tpu.dma_semaphore, #tpu.memory_space<semaphore_mem>> -> memref<!tpu.dma_semaphore, #tpu.memory_space<semaphore_mem>>
    tpu.wait_indirect_dma semaphore(%dma_wait3A_49 : memref<!tpu.dma_semaphore, #tpu.memory_space<semaphore_mem>>) src(%dma_wait3A_41 : memref<128x64xf32, #tpu.memory_space<vmem>>) dst(%dma_wait3A_47 : memref<10240x64xf32, #tpu.memory_space<vmem_shared>>)
    %barrier3A_50 = arith.constant 0 : index
    tpu.barrier barrier_id(%barrier3A_50)
    %run_scoped3A = arith.constant 0 : i32
    "tpu.region"() ({
      %run_scoped3A_100 = tpu.sem_alloc : memref<!tpu.dma_semaphore, #tpu.memory_space<semaphore_mem>>
      %dma_start3A_101 = arith.constant 0 : i32
      %dma_start3A_102 = tpu.memref_slice %arg6[%run_scoped3A, %arg0, %mul3A_2, %dma_start3A_101] : memref<2x2x10240x64xf32, #tpu.memory_space<hbm>> -> memref<1x1x640x64xf32, #tpu.memory_space<hbm>>
      %dma_start3A_103 = tpu.memref_squeeze %dma_start3A_102 : memref<1x1x640x64xf32, #tpu.memory_space<hbm>> -> memref<640x64xf32, #tpu.memory_space<hbm>>
      %dma_start3A_104 = arith.constant 0 : i32
      %dma_start3A_105 = tpu.memref_slice %arg12[%mul3A_2, %dma_start3A_104] : memref<10240x64xf32, #tpu.memory_space<vmem_shared>> -> memref<640x64xf32, #tpu.memory_space<vmem_shared>>
      tpu.enqueue_dma source(%dma_start3A_105 : memref<640x64xf32, #tpu.memory_space<vmem_shared>>) target(%dma_start3A_103 : memref<640x64xf32, #tpu.memory_space<hbm>>) target_semaphore(%run_scoped3A_100 : memref<!tpu.dma_semaphore, #tpu.memory_space<semaphore_mem>>)
      %dma_wait3A_106 = arith.constant 0 : i32
      %dma_wait3A_107 = tpu.memref_slice %arg6[%run_scoped3A, %arg0, %mul3A_2, %dma_wait3A_106] : memref<2x2x10240x64xf32, #tpu.memory_space<hbm>> -> memref<1x1x640x64xf32, #tpu.memory_space<hbm>>
      %dma_wait3A_108 = tpu.memref_squeeze %dma_wait3A_107 : memref<1x1x640x64xf32, #tpu.memory_space<hbm>> -> memref<640x64xf32, #tpu.memory_space<hbm>>
      %dma_wait3A_109 = arith.constant 0 : i32
      %dma_wait3A_110 = tpu.memref_slice %arg12[%mul3A_2, %dma_wait3A_109] : memref<10240x64xf32, #tpu.memory_space<vmem_shared>> -> memref<640x64xf32, #tpu.memory_space<vmem_shared>>
      tpu.wait_dma2 semaphore(%run_scoped3A_100 : memref<!tpu.dma_semaphore, #tpu.memory_space<semaphore_mem>>) src(%dma_wait3A_110 : memref<640x64xf32, #tpu.memory_space<vmem_shared>>) dst(%dma_wait3A_108 : memref<640x64xf32, #tpu.memory_space<hbm>>)
      tpu.yield
    }) : () -> ()
    %barrier3A_51 = arith.constant 0 : index
    tpu.barrier barrier_id(%barrier3A_51)
    "tpu.region"() ({
      %run_scoped3A_100 = tpu.sem_alloc : memref<!tpu.dma_semaphore, #tpu.memory_space<semaphore_mem>>
      %dma_start3A_101 = arith.constant 0 : i32
      %dma_start3A_102 = tpu.memref_slice %arg11[%mul3A_2, %dma_start3A_101] : memref<10240x64xf32, #tpu.memory_space<vmem_shared>> -> memref<640x64xf32, #tpu.memory_space<vmem_shared>>
      %dma_start3A_103 = arith.constant 0 : i32
      %dma_start3A_104 = tpu.memref_slice %arg5[%mul3A_2, %dma_start3A_103] : memref<10240x64xf32, #tpu.memory_space<hbm>> -> memref<640x64xf32, #tpu.memory_space<hbm>>
      tpu.enqueue_dma source(%dma_start3A_104 : memref<640x64xf32, #tpu.memory_space<hbm>>) target(%dma_start3A_102 : memref<640x64xf32, #tpu.memory_space<vmem_shared>>) target_semaphore(%run_scoped3A_100 : memref<!tpu.dma_semaphore, #tpu.memory_space<semaphore_mem>>)
      %dma_wait3A_105 = arith.constant 0 : i32
      %dma_wait3A_106 = tpu.memref_slice %arg11[%mul3A_2, %dma_wait3A_105] : memref<10240x64xf32, #tpu.memory_space<vmem_shared>> -> memref<640x64xf32, #tpu.memory_space<vmem_shared>>
      %dma_wait3A_107 = arith.constant 0 : i32
      %dma_wait3A_108 = tpu.memref_slice %arg5[%mul3A_2, %dma_wait3A_107] : memref<10240x64xf32, #tpu.memory_space<hbm>> -> memref<640x64xf32, #tpu.memory_space<hbm>>
      tpu.wait_dma2 semaphore(%run_scoped3A_100 : memref<!tpu.dma_semaphore, #tpu.memory_space<semaphore_mem>>) src(%dma_wait3A_108 : memref<640x64xf32, #tpu.memory_space<hbm>>) dst(%dma_wait3A_106 : memref<640x64xf32, #tpu.memory_space<vmem_shared>>)
      tpu.yield
    }) : () -> ()
    %scan3A_52 = arith.constant 0 : i32
    %scan3A_53 = arith.constant 0 : i32
    %scan3A_54 = arith.constant 20 : i32
    %scan3A_55 = arith.addi %scan3A_53, %scan3A_54 : i32
    %scan3A_56 = arith.constant 1 : i32
    %scan3A_57 = scf.for %scan3A_100 = %scan3A_53 to %scan3A_55 step %scan3A_56 iter_args(%scan3A_101 = %scan3A_52) -> (i32)  : i32 {
      %mul3A_102 = arith.constant 32 : i32
      %mul3A_103 = arith.muli %scan3A_100, %mul3A_102 : i32
      %add3A_104 = arith.addi %mul3A_2, %mul3A_103 : i32
      "tpu.region"() ({
        %run_scoped3A_106 = tpu.sem_alloc : memref<!tpu.dma_semaphore, #tpu.memory_space<semaphore_mem>>
        %dma_start3A_107 = arith.constant 0 : i32
        %dma_start3A_108 = tpu.memref_slice %arg12[%add3A_104, %dma_start3A_107] : memref<10240x64xf32, #tpu.memory_space<vmem_shared>> -> memref<32x64xf32, #tpu.memory_space<vmem_shared>>
        %dma_start3A_109 = arith.constant 0 : i32
        %dma_start3A_110 = tpu.memref_slice %arg12[%add3A_104, %dma_start3A_109] : memref<10240x64xf32, #tpu.memory_space<vmem_shared>> -> memref<32x64xf32, #tpu.memory_space<vmem_shared>>
        tpu.enqueue_dma source(%arg10 : memref<32x64xf32, #tpu.memory_space<vmem>>) target(%dma_start3A_110 : memref<32x64xf32, #tpu.memory_space<vmem_shared>>) target_semaphore(%run_scoped3A_106 : memref<!tpu.dma_semaphore, #tpu.memory_space<semaphore_mem>>)
        %dma_wait3A_111 = arith.constant 0 : i32
        %dma_wait3A_112 = tpu.memref_slice %arg12[%add3A_104, %dma_wait3A_111] : memref<10240x64xf32, #tpu.memory_space<vmem_shared>> -> memref<32x64xf32, #tpu.memory_space<vmem_shared>>
        %dma_wait3A_113 = arith.constant 0 : i32
        %dma_wait3A_114 = tpu.memref_slice %arg12[%add3A_104, %dma_wait3A_113] : memref<10240x64xf32, #tpu.memory_space<vmem_shared>> -> memref<32x64xf32, #tpu.memory_space<vmem_shared>>
        tpu.wait_dma2 semaphore(%run_scoped3A_106 : memref<!tpu.dma_semaphore, #tpu.memory_space<semaphore_mem>>) src(%arg10 : memref<32x64xf32, #tpu.memory_space<vmem>>) dst(%dma_wait3A_114 : memref<32x64xf32, #tpu.memory_space<vmem_shared>>)
        tpu.yield
      }) : () -> ()
      %scan3A_105 = arith.constant 0 : i32
      scf.yield %scan3A_105 : i32
    }
    %scan3A_58 = arith.constant 20 : i32
    %barrier3A_59 = arith.constant 0 : index
    tpu.barrier barrier_id(%barrier3A_59)
    %dma_start3A_60 = arith.constant 0 : i32
    %dma_start3A_61 = arith.constant 0 : i32
    %dma_start3A_62 = arith.constant 0 : i32
    %dma_start3A_63 = arith.constant 0 : i32
    %dma_start3A_64 = arith.constant 0 : i32
    %dma_start3A_65 = tpu.memref_slice %arg9[%dma_start3A_61, %dma_start3A_63, %dma_start3A_64] : memref<2x128x64xf32, #tpu.memory_space<vmem>> -> memref<1x128x64xf32, #tpu.memory_space<vmem>>
    %dma_start3A_66 = tpu.memref_squeeze %dma_start3A_65 : memref<1x128x64xf32, #tpu.memory_space<vmem>> -> memref<128x64xf32, #tpu.memory_space<vmem>>
    %dma_start3A_67 = arith.constant 0 : i32
    %dma_start3A_68 = tpu.memref_slice %arg8[%dma_start3A_60, %dma_start3A_67] : memref<40x128xi32, #tpu.memory_space<vmem>> -> memref<1x128xi32, #tpu.memory_space<vmem>>
    %dma_start3A_69 = tpu.memref_squeeze %dma_start3A_68 : memref<1x128xi32, #tpu.memory_space<vmem>> -> memref<128xi32, #tpu.memory_space<vmem>>
    %dma_start3A_70 = arith.constant 0 : i32
    %dma_start3A_71 = arith.constant 0 : i32
    %dma_start3A_72 = tpu.memref_slice %arg11[%dma_start3A_70, %dma_start3A_71] : memref<10240x64xf32, #tpu.memory_space<vmem_shared>> -> memref<10240x64xf32, #tpu.memory_space<vmem_shared>>
    %dma_start3A_73 = tpu.memref_slice %arg13[%dma_start3A_62] : memref<2x!tpu.dma_semaphore, #tpu.memory_space<semaphore_mem>> -> memref<1x!tpu.dma_semaphore, #tpu.memory_space<semaphore_mem>>
    %dma_start3A_74 = tpu.memref_squeeze %dma_start3A_73 : memref<1x!tpu.dma_semaphore, #tpu.memory_space<semaphore_mem>> -> memref<!tpu.dma_semaphore, #tpu.memory_space<semaphore_mem>>
    tpu.enqueue_indirect_dma source(%dma_start3A_72 : memref<10240x64xf32, #tpu.memory_space<vmem_shared>>) target(%dma_start3A_66 : memref<128x64xf32, #tpu.memory_space<vmem>>) offsets(%dma_start3A_69 : memref<128xi32, #tpu.memory_space<vmem>>) semaphore(%dma_start3A_74 : memref<!tpu.dma_semaphore, #tpu.memory_space<semaphore_mem>>)
    %scan3A_75 = arith.constant 0 : i32
    %scan3A_76 = arith.constant 0 : i32
    %scan3A_77 = arith.constant 40 : i32
    %scan3A_78 = arith.addi %scan3A_76, %scan3A_77 : i32
    %scan3A_79 = arith.constant 1 : i32
    %scan3A_80 = scf.for %scan3A_100 = %scan3A_76 to %scan3A_78 step %scan3A_79 iter_args(%scan3A_101 = %scan3A_75) -> (i32)  : i32 {
      %rem3A = arith.constant 2 : i32
      %rem3A_102 = arith.remsi %scan3A_100, %rem3A : i32
      %add3A_103 = arith.constant 1 : i32
      %add3A_104 = arith.addi %scan3A_100, %add3A_103 : i32
      %rem3A_105 = arith.constant 2 : i32
      %rem3A_106 = arith.remsi %add3A_104, %rem3A_105 : i32
      %ge3A = arith.constant 1 : i32
      %ge3A_107 = arith.cmpi sge, %scan3A_100, %ge3A : i32
      %convert_element_type3A = arith.extui %ge3A_107 : i1 to i32
      %cond3A = arith.constant 0 : i32
      %cond3A_108 = arith.cmpi ne, %convert_element_type3A, %cond3A : i32
      scf.if %cond3A_108 {
        %dma_wait3A_140 = arith.constant 0 : i32
        %dma_wait3A_141 = arith.constant 0 : i32
        %dma_wait3A_142 = arith.constant 0 : i32
        %dma_wait3A_143 = tpu.memref_slice %arg9[%rem3A_106, %dma_wait3A_141, %dma_wait3A_142] : memref<2x128x64xf32, #tpu.memory_space<vmem>> -> memref<1x128x64xf32, #tpu.memory_space<vmem>>
        %dma_wait3A_144 = tpu.memref_squeeze %dma_wait3A_143 : memref<1x128x64xf32, #tpu.memory_space<vmem>> -> memref<128x64xf32, #tpu.memory_space<vmem>>
        %dma_wait3A_145 = arith.constant 0 : i32
        %dma_wait3A_146 = tpu.memref_slice %arg7[%dma_wait3A_140, %dma_wait3A_145] : memref<40x128xi32, #tpu.memory_space<vmem>> -> memref<1x128xi32, #tpu.memory_space<vmem>>
        %dma_wait3A_147 = tpu.memref_squeeze %dma_wait3A_146 : memref<1x128xi32, #tpu.memory_space<vmem>> -> memref<128xi32, #tpu.memory_space<vmem>>
        %dma_wait3A_148 = arith.constant 0 : i32
        %dma_wait3A_149 = arith.constant 0 : i32
        %dma_wait3A_150 = tpu.memref_slice %arg12[%dma_wait3A_148, %dma_wait3A_149] : memref<10240x64xf32, #tpu.memory_space<vmem_shared>> -> memref<10240x64xf32, #tpu.memory_space<vmem_shared>>
        %dma_wait3A_151 = tpu.memref_slice %arg14[%rem3A_106] : memref<2x!tpu.dma_semaphore, #tpu.memory_space<semaphore_mem>> -> memref<1x!tpu.dma_semaphore, #tpu.memory_space<semaphore_mem>>
        %dma_wait3A_152 = tpu.memref_squeeze %dma_wait3A_151 : memref<1x!tpu.dma_semaphore, #tpu.memory_space<semaphore_mem>> -> memref<!tpu.dma_semaphore, #tpu.memory_space<semaphore_mem>>
        tpu.wait_indirect_dma semaphore(%dma_wait3A_152 : memref<!tpu.dma_semaphore, #tpu.memory_space<semaphore_mem>>) src(%dma_wait3A_144 : memref<128x64xf32, #tpu.memory_space<vmem>>) dst(%dma_wait3A_150 : memref<10240x64xf32, #tpu.memory_space<vmem_shared>>)
      } else {
      }
      %add3A_109 = arith.constant 1 : i32
      %add3A_110 = arith.addi %scan3A_100, %add3A_109 : i32
      %lt3A = arith.constant 40 : i32
      %lt3A_111 = arith.cmpi slt, %add3A_110, %lt3A : i32
      %convert_element_type3A_112 = arith.extui %lt3A_111 : i1 to i32
      %cond3A_113 = arith.constant 0 : i32
      %cond3A_114 = arith.cmpi ne, %convert_element_type3A_112, %cond3A_113 : i32
      scf.if %cond3A_114 {
        %add3A_140 = arith.constant 1 : i32
        %add3A_141 = arith.addi %scan3A_100, %add3A_140 : i32
        %dma_start3A_142 = arith.constant 0 : i32
        %dma_start3A_143 = arith.constant 0 : i32
        %dma_start3A_144 = tpu.memref_slice %arg9[%rem3A_106, %dma_start3A_142, %dma_start3A_143] : memref<2x128x64xf32, #tpu.memory_space<vmem>> -> memref<1x128x64xf32, #tpu.memory_space<vmem>>
        %dma_start3A_145 = tpu.memref_squeeze %dma_start3A_144 : memref<1x128x64xf32, #tpu.memory_space<vmem>> -> memref<128x64xf32, #tpu.memory_space<vmem>>
        %dma_start3A_146 = arith.constant 0 : i32
        %dma_start3A_147 = tpu.memref_slice %arg8[%add3A_141, %dma_start3A_146] : memref<40x128xi32, #tpu.memory_space<vmem>> -> memref<1x128xi32, #tpu.memory_space<vmem>>
        %dma_start3A_148 = tpu.memref_squeeze %dma_start3A_147 : memref<1x128xi32, #tpu.memory_space<vmem>> -> memref<128xi32, #tpu.memory_space<vmem>>
        %dma_start3A_149 = arith.constant 0 : i32
        %dma_start3A_150 = arith.constant 0 : i32
        %dma_start3A_151 = tpu.memref_slice %arg11[%dma_start3A_149, %dma_start3A_150] : memref<10240x64xf32, #tpu.memory_space<vmem_shared>> -> memref<10240x64xf32, #tpu.memory_space<vmem_shared>>
        %dma_start3A_152 = tpu.memref_slice %arg13[%rem3A_106] : memref<2x!tpu.dma_semaphore, #tpu.memory_space<semaphore_mem>> -> memref<1x!tpu.dma_semaphore, #tpu.memory_space<semaphore_mem>>
        %dma_start3A_153 = tpu.memref_squeeze %dma_start3A_152 : memref<1x!tpu.dma_semaphore, #tpu.memory_space<semaphore_mem>> -> memref<!tpu.dma_semaphore, #tpu.memory_space<semaphore_mem>>
        tpu.enqueue_indirect_dma source(%dma_start3A_151 : memref<10240x64xf32, #tpu.memory_space<vmem_shared>>) target(%dma_start3A_145 : memref<128x64xf32, #tpu.memory_space<vmem>>) offsets(%dma_start3A_148 : memref<128xi32, #tpu.memory_space<vmem>>) semaphore(%dma_start3A_153 : memref<!tpu.dma_semaphore, #tpu.memory_space<semaphore_mem>>)
      } else {
      }
      %dma_wait3A_115 = arith.constant 0 : i32
      %dma_wait3A_116 = arith.constant 0 : i32
      %dma_wait3A_117 = tpu.memref_slice %arg9[%rem3A_102, %dma_wait3A_115, %dma_wait3A_116] : memref<2x128x64xf32, #tpu.memory_space<vmem>> -> memref<1x128x64xf32, #tpu.memory_space<vmem>>
      %dma_wait3A_118 = tpu.memref_squeeze %dma_wait3A_117 : memref<1x128x64xf32, #tpu.memory_space<vmem>> -> memref<128x64xf32, #tpu.memory_space<vmem>>
      %dma_wait3A_119 = arith.constant 0 : i32
      %dma_wait3A_120 = tpu.memref_slice %arg8[%scan3A_100, %dma_wait3A_119] : memref<40x128xi32, #tpu.memory_space<vmem>> -> memref<1x128xi32, #tpu.memory_space<vmem>>
      %dma_wait3A_121 = tpu.memref_squeeze %dma_wait3A_120 : memref<1x128xi32, #tpu.memory_space<vmem>> -> memref<128xi32, #tpu.memory_space<vmem>>
      %dma_wait3A_122 = arith.constant 0 : i32
      %dma_wait3A_123 = arith.constant 0 : i32
      %dma_wait3A_124 = tpu.memref_slice %arg11[%dma_wait3A_122, %dma_wait3A_123] : memref<10240x64xf32, #tpu.memory_space<vmem_shared>> -> memref<10240x64xf32, #tpu.memory_space<vmem_shared>>
      %dma_wait3A_125 = tpu.memref_slice %arg13[%rem3A_102] : memref<2x!tpu.dma_semaphore, #tpu.memory_space<semaphore_mem>> -> memref<1x!tpu.dma_semaphore, #tpu.memory_space<semaphore_mem>>
      %dma_wait3A_126 = tpu.memref_squeeze %dma_wait3A_125 : memref<1x!tpu.dma_semaphore, #tpu.memory_space<semaphore_mem>> -> memref<!tpu.dma_semaphore, #tpu.memory_space<semaphore_mem>>
      tpu.wait_indirect_dma semaphore(%dma_wait3A_126 : memref<!tpu.dma_semaphore, #tpu.memory_space<semaphore_mem>>) src(%dma_wait3A_124 : memref<10240x64xf32, #tpu.memory_space<vmem_shared>>) dst(%dma_wait3A_118 : memref<128x64xf32, #tpu.memory_space<vmem>>)
      %dma_start3A_127 = arith.constant 0 : i32
      %dma_start3A_128 = arith.constant 0 : i32
      %dma_start3A_129 = tpu.memref_slice %arg9[%rem3A_102, %dma_start3A_127, %dma_start3A_128] : memref<2x128x64xf32, #tpu.memory_space<vmem>> -> memref<1x128x64xf32, #tpu.memory_space<vmem>>
      %dma_start3A_130 = tpu.memref_squeeze %dma_start3A_129 : memref<1x128x64xf32, #tpu.memory_space<vmem>> -> memref<128x64xf32, #tpu.memory_space<vmem>>
      %dma_start3A_131 = arith.constant 0 : i32
      %dma_start3A_132 = tpu.memref_slice %arg7[%scan3A_100, %dma_start3A_131] : memref<40x128xi32, #tpu.memory_space<vmem>> -> memref<1x128xi32, #tpu.memory_space<vmem>>
      %dma_start3A_133 = tpu.memref_squeeze %dma_start3A_132 : memref<1x128xi32, #tpu.memory_space<vmem>> -> memref<128xi32, #tpu.memory_space<vmem>>
      %dma_start3A_134 = arith.constant 0 : i32
      %dma_start3A_135 = arith.constant 0 : i32
      %dma_start3A_136 = tpu.memref_slice %arg12[%dma_start3A_134, %dma_start3A_135] : memref<10240x64xf32, #tpu.memory_space<vmem_shared>> -> memref<10240x64xf32, #tpu.memory_space<vmem_shared>>
      %dma_start3A_137 = tpu.memref_slice %arg14[%rem3A_102] : memref<2x!tpu.dma_semaphore, #tpu.memory_space<semaphore_mem>> -> memref<1x!tpu.dma_semaphore, #tpu.memory_space<semaphore_mem>>
      %dma_start3A_138 = tpu.memref_squeeze %dma_start3A_137 : memref<1x!tpu.dma_semaphore, #tpu.memory_space<semaphore_mem>> -> memref<!tpu.dma_semaphore, #tpu.memory_space<semaphore_mem>>
      tpu.enqueue_indirect_dma source(%dma_start3A_130 : memref<128x64xf32, #tpu.memory_space<vmem>>) target(%dma_start3A_136 : memref<10240x64xf32, #tpu.memory_space<vmem_shared>>) offsets(%dma_start3A_133 : memref<128xi32, #tpu.memory_space<vmem>>) semaphore(%dma_start3A_138 : memref<!tpu.dma_semaphore, #tpu.memory_space<semaphore_mem>>) {add = true}
      %scan3A_139 = arith.constant 0 : i32
      scf.yield %scan3A_139 : i32
    }
    %scan3A_81 = arith.constant 40 : i32
    %dma_wait3A_82 = arith.constant 1 : i32
    %dma_wait3A_83 = arith.constant 0 : i32
    %dma_wait3A_84 = arith.constant 1 : i32
    %dma_wait3A_85 = arith.constant 0 : i32
    %dma_wait3A_86 = arith.constant 0 : i32
    %dma_wait3A_87 = tpu.memref_slice %arg9[%dma_wait3A_82, %dma_wait3A_85, %dma_wait3A_86] : memref<2x128x64xf32, #tpu.memory_space<vmem>> -> memref<1x128x64xf32, #tpu.memory_space<vmem>>
    %dma_wait3A_88 = tpu.memref_squeeze %dma_wait3A_87 : memref<1x128x64xf32, #tpu.memory_space<vmem>> -> memref<128x64xf32, #tpu.memory_space<vmem>>
    %dma_wait3A_89 = arith.constant 0 : i32
    %dma_wait3A_90 = tpu.memref_slice %arg7[%dma_wait3A_83, %dma_wait3A_89] : memref<40x128xi32, #tpu.memory_space<vmem>> -> memref<1x128xi32, #tpu.memory_space<vmem>>
    %dma_wait3A_91 = tpu.memref_squeeze %dma_wait3A_90 : memref<1x128xi32, #tpu.memory_space<vmem>> -> memref<128xi32, #tpu.memory_space<vmem>>
    %dma_wait3A_92 = arith.constant 0 : i32
    %dma_wait3A_93 = arith.constant 0 : i32
    %dma_wait3A_94 = tpu.memref_slice %arg12[%dma_wait3A_92, %dma_wait3A_93] : memref<10240x64xf32, #tpu.memory_space<vmem_shared>> -> memref<10240x64xf32, #tpu.memory_space<vmem_shared>>
    %dma_wait3A_95 = tpu.memref_slice %arg14[%dma_wait3A_84] : memref<2x!tpu.dma_semaphore, #tpu.memory_space<semaphore_mem>> -> memref<1x!tpu.dma_semaphore, #tpu.memory_space<semaphore_mem>>
    %dma_wait3A_96 = tpu.memref_squeeze %dma_wait3A_95 : memref<1x!tpu.dma_semaphore, #tpu.memory_space<semaphore_mem>> -> memref<!tpu.dma_semaphore, #tpu.memory_space<semaphore_mem>>
    tpu.wait_indirect_dma semaphore(%dma_wait3A_96 : memref<!tpu.dma_semaphore, #tpu.memory_space<semaphore_mem>>) src(%dma_wait3A_88 : memref<128x64xf32, #tpu.memory_space<vmem>>) dst(%dma_wait3A_94 : memref<10240x64xf32, #tpu.memory_space<vmem_shared>>)
    %barrier3A_97 = arith.constant 0 : index
    tpu.barrier barrier_id(%barrier3A_97)
    %run_scoped3A_98 = arith.constant 1 : i32
    "tpu.region"() ({
      %run_scoped3A_100 = tpu.sem_alloc : memref<!tpu.dma_semaphore, #tpu.memory_space<semaphore_mem>>
      %dma_start3A_101 = arith.constant 0 : i32
      %dma_start3A_102 = tpu.memref_slice %arg6[%run_scoped3A_98, %arg0, %mul3A_2, %dma_start3A_101] : memref<2x2x10240x64xf32, #tpu.memory_space<hbm>> -> memref<1x1x640x64xf32, #tpu.memory_space<hbm>>
      %dma_start3A_103 = tpu.memref_squeeze %dma_start3A_102 : memref<1x1x640x64xf32, #tpu.memory_space<hbm>> -> memref<640x64xf32, #tpu.memory_space<hbm>>
      %dma_start3A_104 = arith.constant 0 : i32
      %dma_start3A_105 = tpu.memref_slice %arg12[%mul3A_2, %dma_start3A_104] : memref<10240x64xf32, #tpu.memory_space<vmem_shared>> -> memref<640x64xf32, #tpu.memory_space<vmem_shared>>
      tpu.enqueue_dma source(%dma_start3A_105 : memref<640x64xf32, #tpu.memory_space<vmem_shared>>) target(%dma_start3A_103 : memref<640x64xf32, #tpu.memory_space<hbm>>) target_semaphore(%run_scoped3A_100 : memref<!tpu.dma_semaphore, #tpu.memory_space<semaphore_mem>>)
      %dma_wait3A_106 = arith.constant 0 : i32
      %dma_wait3A_107 = tpu.memref_slice %arg6[%run_scoped3A_98, %arg0, %mul3A_2, %dma_wait3A_106] : memref<2x2x10240x64xf32, #tpu.memory_space<hbm>> -> memref<1x1x640x64xf32, #tpu.memory_space<hbm>>
      %dma_wait3A_108 = tpu.memref_squeeze %dma_wait3A_107 : memref<1x1x640x64xf32, #tpu.memory_space<hbm>> -> memref<640x64xf32, #tpu.memory_space<hbm>>
      %dma_wait3A_109 = arith.constant 0 : i32
      %dma_wait3A_110 = tpu.memref_slice %arg12[%mul3A_2, %dma_wait3A_109] : memref<10240x64xf32, #tpu.memory_space<vmem_shared>> -> memref<640x64xf32, #tpu.memory_space<vmem_shared>>
      tpu.wait_dma2 semaphore(%run_scoped3A_100 : memref<!tpu.dma_semaphore, #tpu.memory_space<semaphore_mem>>) src(%dma_wait3A_110 : memref<640x64xf32, #tpu.memory_space<vmem_shared>>) dst(%dma_wait3A_108 : memref<640x64xf32, #tpu.memory_space<hbm>>)
      tpu.yield
    }) : () -> ()
    %barrier3A_99 = arith.constant 0 : index
    tpu.barrier barrier_id(%barrier3A_99)
    return
  }
}

#map = affine_map<(d0, d1) -> (0, 0)>
#map1 = affine_map<(d0, d1) -> (0, 0, 0)>
module attributes {stable_mosaic.version = 14 : i64} {
  func.func @_sc1_body(%arg0: i32, %arg1: i32, %arg2: memref<1280x128xi32, #tpu.memory_space<hbm>>, %arg3: memref<1280x128xi32, #tpu.memory_space<hbm>>, %arg4: memref<10240x16xf32, #tpu.memory_space<hbm>>, %arg5: memref<10240x16xf32, #tpu.memory_space<hbm>>, %arg6: memref<2x10240x16xf32, #tpu.memory_space<hbm>>, %arg7: memref<2x10240x16xf32, #tpu.memory_space<hbm>>, %arg8: memref<40x128xi32, #tpu.memory_space<vmem>>, %arg9: memref<40x128xi32, #tpu.memory_space<vmem>>, %arg10: memref<2x128x16xf32, #tpu.memory_space<vmem>>, %arg11: memref<2x128x16xf32, #tpu.memory_space<vmem>>, %arg12: memref<2x128x16xf32, #tpu.memory_space<vmem>>, %arg13: memref<128x16xf32, #tpu.memory_space<vmem>>, %arg14: memref<640x16xf32, #tpu.memory_space<vmem>>, %arg15: memref<10240x16xf32, #tpu.memory_space<vmem_shared>>, %arg16: memref<10240x16xf32, #tpu.memory_space<vmem_shared>>, %arg17: memref<10240x16xf32, #tpu.memory_space<vmem_shared>>, %arg18: memref<10240x16xf32, #tpu.memory_space<vmem_shared>>, %arg19: memref<2x!tpu.dma_semaphore, #tpu.memory_space<semaphore_mem>>, %arg20: memref<2x!tpu.dma_semaphore, #tpu.memory_space<semaphore_mem>>, %arg21: memref<2x!tpu.dma_semaphore, #tpu.memory_space<semaphore_mem>>, %arg22: memref<!tpu.dma_semaphore, #tpu.memory_space<semaphore_mem>>) attributes {dimension_semantics = [#tpu.dimension_semantics<core_parallel>, #tpu.dimension_semantics<subcore_parallel>], iteration_bounds = array<i64: 2, 16>, scalar_prefetch = 0 : i64, scratch_operands = 15 : i64, tpu.core_type = #tpu.core_type<sc_vector_subcore>, window_params = [{transform_indices = #map}, {transform_indices = #map}, {transform_indices = #map}, {transform_indices = #map}, {transform_indices = #map1}, {transform_indices = #map1}]} {
    %mul3A = arith.constant 2 : i32
    %mul3A_0 = arith.muli %arg1, %mul3A : i32
    %add3A = arith.addi %mul3A_0, %arg0 : i32
    %mul3A_1 = arith.constant 640 : i32
    %mul3A_2 = arith.muli %arg1, %mul3A_1 : i32
    %parallel_loop3A = arith.constant 0 : i32
    %parallel_loop3A_3 = arith.constant 128 : i32
    %parallel_loop3A_4 = arith.constant 1 : i32
    scf.for %parallel_loop3A_84 = %parallel_loop3A to %parallel_loop3A_3 step %parallel_loop3A_4  : i32 {
      %parallel_loop3A_85 = arith.constant 1.000000e+00 : f32
      %parallel_loop3A_86 = vector.broadcast %parallel_loop3A_85 : f32 to vector<16xf32>
      %parallel_loop3A_87 = arith.index_cast %parallel_loop3A_84 : i32 to index
      %parallel_loop3A_88 = arith.constant 0 : index
      %parallel_loop3A_89 = tpu.vector_load %arg13[%parallel_loop3A_87, %parallel_loop3A_88] {strides = array<i32>} : memref<128x16xf32, #tpu.memory_space<vmem>>, vector<1x16xf32>,
      %parallel_loop3A_90 = vector.shape_cast %parallel_loop3A_89 : vector<1x16xf32> to vector<16xf32>
      %parallel_loop3A_91 = vector.shape_cast %parallel_loop3A_86 : vector<16xf32> to vector<1x16xf32>
      tpu.vector_store %arg13[%parallel_loop3A_87, %parallel_loop3A_88], %parallel_loop3A_91 {strides = array<i32>} : memref<128x16xf32, #tpu.memory_space<vmem>>, vector<1x16xf32>,
    } {sc.loop_unroll_factor = 8 : i64, sc.parallel_access}
    %parallel_loop3A_5 = arith.constant 0 : i32
    %parallel_loop3A_6 = arith.constant 640 : i32
    %parallel_loop3A_7 = arith.constant 1 : i32
    scf.for %parallel_loop3A_84 = %parallel_loop3A_5 to %parallel_loop3A_6 step %parallel_loop3A_7  : i32 {
      %parallel_loop3A_85 = arith.constant 0.000000e+00 : f32
      %parallel_loop3A_86 = vector.broadcast %parallel_loop3A_85 : f32 to vector<16xf32>
      %parallel_loop3A_87 = arith.index_cast %parallel_loop3A_84 : i32 to index
      %parallel_loop3A_88 = arith.constant 0 : index
      %parallel_loop3A_89 = tpu.vector_load %arg14[%parallel_loop3A_87, %parallel_loop3A_88] {strides = array<i32>} : memref<640x16xf32, #tpu.memory_space<vmem>>, vector<1x16xf32>,
      %parallel_loop3A_90 = vector.shape_cast %parallel_loop3A_89 : vector<1x16xf32> to vector<16xf32>
      %parallel_loop3A_91 = vector.shape_cast %parallel_loop3A_86 : vector<16xf32> to vector<1x16xf32>
      tpu.vector_store %arg14[%parallel_loop3A_87, %parallel_loop3A_88], %parallel_loop3A_91 {strides = array<i32>} : memref<640x16xf32, #tpu.memory_space<vmem>>, vector<1x16xf32>,
    } {sc.loop_unroll_factor = 8 : i64, sc.parallel_access}
    "tpu.region"() ({
      %run_scoped3A = tpu.sem_alloc : memref<!tpu.dma_semaphore, #tpu.memory_space<semaphore_mem>>
      %dma_start3A_84 = arith.constant 0 : i32
      %dma_start3A_85 = tpu.memref_slice %arg15[%mul3A_2, %dma_start3A_84] : memref<10240x16xf32, #tpu.memory_space<vmem_shared>> -> memref<640x16xf32, #tpu.memory_space<vmem_shared>>
      %dma_start3A_86 = arith.constant 0 : i32
      %dma_start3A_87 = tpu.memref_slice %arg15[%mul3A_2, %dma_start3A_86] : memref<10240x16xf32, #tpu.memory_space<vmem_shared>> -> memref<640x16xf32, #tpu.memory_space<vmem_shared>>
      tpu.enqueue_dma source(%arg14 : memref<640x16xf32, #tpu.memory_space<vmem>>) target(%dma_start3A_87 : memref<640x16xf32, #tpu.memory_space<vmem_shared>>) target_semaphore(%run_scoped3A : memref<!tpu.dma_semaphore, #tpu.memory_space<semaphore_mem>>)
      %dma_wait3A_88 = arith.constant 0 : i32
      %dma_wait3A_89 = tpu.memref_slice %arg15[%mul3A_2, %dma_wait3A_88] : memref<10240x16xf32, #tpu.memory_space<vmem_shared>> -> memref<640x16xf32, #tpu.memory_space<vmem_shared>>
      %dma_wait3A_90 = arith.constant 0 : i32
      %dma_wait3A_91 = tpu.memref_slice %arg15[%mul3A_2, %dma_wait3A_90] : memref<10240x16xf32, #tpu.memory_space<vmem_shared>> -> memref<640x16xf32, #tpu.memory_space<vmem_shared>>
      tpu.wait_dma2 semaphore(%run_scoped3A : memref<!tpu.dma_semaphore, #tpu.memory_space<semaphore_mem>>) src(%arg14 : memref<640x16xf32, #tpu.memory_space<vmem>>) dst(%dma_wait3A_91 : memref<640x16xf32, #tpu.memory_space<vmem_shared>>)
      tpu.yield
    }) : () -> ()
    "tpu.region"() ({
      %run_scoped3A = tpu.sem_alloc : memref<!tpu.dma_semaphore, #tpu.memory_space<semaphore_mem>>
      %dma_start3A_84 = arith.constant 0 : i32
      %dma_start3A_85 = tpu.memref_slice %arg16[%mul3A_2, %dma_start3A_84] : memref<10240x16xf32, #tpu.memory_space<vmem_shared>> -> memref<640x16xf32, #tpu.memory_space<vmem_shared>>
      %dma_start3A_86 = arith.constant 0 : i32
      %dma_start3A_87 = tpu.memref_slice %arg16[%mul3A_2, %dma_start3A_86] : memref<10240x16xf32, #tpu.memory_space<vmem_shared>> -> memref<640x16xf32, #tpu.memory_space<vmem_shared>>
      tpu.enqueue_dma source(%arg14 : memref<640x16xf32, #tpu.memory_space<vmem>>) target(%dma_start3A_87 : memref<640x16xf32, #tpu.memory_space<vmem_shared>>) target_semaphore(%run_scoped3A : memref<!tpu.dma_semaphore, #tpu.memory_space<semaphore_mem>>)
      %dma_wait3A_88 = arith.constant 0 : i32
      %dma_wait3A_89 = tpu.memref_slice %arg16[%mul3A_2, %dma_wait3A_88] : memref<10240x16xf32, #tpu.memory_space<vmem_shared>> -> memref<640x16xf32, #tpu.memory_space<vmem_shared>>
      %dma_wait3A_90 = arith.constant 0 : i32
      %dma_wait3A_91 = tpu.memref_slice %arg16[%mul3A_2, %dma_wait3A_90] : memref<10240x16xf32, #tpu.memory_space<vmem_shared>> -> memref<640x16xf32, #tpu.memory_space<vmem_shared>>
      tpu.wait_dma2 semaphore(%run_scoped3A : memref<!tpu.dma_semaphore, #tpu.memory_space<semaphore_mem>>) src(%arg14 : memref<640x16xf32, #tpu.memory_space<vmem>>) dst(%dma_wait3A_91 : memref<640x16xf32, #tpu.memory_space<vmem_shared>>)
      tpu.yield
    }) : () -> ()
    "tpu.region"() ({
      %run_scoped3A = tpu.sem_alloc : memref<!tpu.dma_semaphore, #tpu.memory_space<semaphore_mem>>
      %dma_start3A_84 = arith.constant 0 : i32
      %dma_start3A_85 = tpu.memref_slice %arg17[%mul3A_2, %dma_start3A_84] : memref<10240x16xf32, #tpu.memory_space<vmem_shared>> -> memref<640x16xf32, #tpu.memory_space<vmem_shared>>
      %dma_start3A_86 = arith.constant 0 : i32
      %dma_start3A_87 = tpu.memref_slice %arg4[%mul3A_2, %dma_start3A_86] : memref<10240x16xf32, #tpu.memory_space<hbm>> -> memref<640x16xf32, #tpu.memory_space<hbm>>
      tpu.enqueue_dma source(%dma_start3A_87 : memref<640x16xf32, #tpu.memory_space<hbm>>) target(%dma_start3A_85 : memref<640x16xf32, #tpu.memory_space<vmem_shared>>) target_semaphore(%run_scoped3A : memref<!tpu.dma_semaphore, #tpu.memory_space<semaphore_mem>>)
      %dma_wait3A_88 = arith.constant 0 : i32
      %dma_wait3A_89 = tpu.memref_slice %arg17[%mul3A_2, %dma_wait3A_88] : memref<10240x16xf32, #tpu.memory_space<vmem_shared>> -> memref<640x16xf32, #tpu.memory_space<vmem_shared>>
      %dma_wait3A_90 = arith.constant 0 : i32
      %dma_wait3A_91 = tpu.memref_slice %arg4[%mul3A_2, %dma_wait3A_90] : memref<10240x16xf32, #tpu.memory_space<hbm>> -> memref<640x16xf32, #tpu.memory_space<hbm>>
      tpu.wait_dma2 semaphore(%run_scoped3A : memref<!tpu.dma_semaphore, #tpu.memory_space<semaphore_mem>>) src(%dma_wait3A_91 : memref<640x16xf32, #tpu.memory_space<hbm>>) dst(%dma_wait3A_89 : memref<640x16xf32, #tpu.memory_space<vmem_shared>>)
      tpu.yield
    }) : () -> ()
    "tpu.region"() ({
      %run_scoped3A = tpu.sem_alloc : memref<!tpu.dma_semaphore, #tpu.memory_space<semaphore_mem>>
      %dma_start3A_84 = arith.constant 0 : i32
      %dma_start3A_85 = tpu.memref_slice %arg18[%mul3A_2, %dma_start3A_84] : memref<10240x16xf32, #tpu.memory_space<vmem_shared>> -> memref<640x16xf32, #tpu.memory_space<vmem_shared>>
      %dma_start3A_86 = arith.constant 0 : i32
      %dma_start3A_87 = tpu.memref_slice %arg5[%mul3A_2, %dma_start3A_86] : memref<10240x16xf32, #tpu.memory_space<hbm>> -> memref<640x16xf32, #tpu.memory_space<hbm>>
      tpu.enqueue_dma source(%dma_start3A_87 : memref<640x16xf32, #tpu.memory_space<hbm>>) target(%dma_start3A_85 : memref<640x16xf32, #tpu.memory_space<vmem_shared>>) target_semaphore(%run_scoped3A : memref<!tpu.dma_semaphore, #tpu.memory_space<semaphore_mem>>)
      %dma_wait3A_88 = arith.constant 0 : i32
      %dma_wait3A_89 = tpu.memref_slice %arg18[%mul3A_2, %dma_wait3A_88] : memref<10240x16xf32, #tpu.memory_space<vmem_shared>> -> memref<640x16xf32, #tpu.memory_space<vmem_shared>>
      %dma_wait3A_90 = arith.constant 0 : i32
      %dma_wait3A_91 = tpu.memref_slice %arg5[%mul3A_2, %dma_wait3A_90] : memref<10240x16xf32, #tpu.memory_space<hbm>> -> memref<640x16xf32, #tpu.memory_space<hbm>>
      tpu.wait_dma2 semaphore(%run_scoped3A : memref<!tpu.dma_semaphore, #tpu.memory_space<semaphore_mem>>) src(%dma_wait3A_91 : memref<640x16xf32, #tpu.memory_space<hbm>>) dst(%dma_wait3A_89 : memref<640x16xf32, #tpu.memory_space<vmem_shared>>)
      tpu.yield
    }) : () -> ()
    %mul3A_8 = arith.constant 40 : i32
    %mul3A_9 = arith.muli %add3A, %mul3A_8 : i32
    "tpu.region"() ({
      %run_scoped3A = tpu.sem_alloc : memref<!tpu.dma_semaphore, #tpu.memory_space<semaphore_mem>>
      %dma_start3A_84 = arith.constant 0 : i32
      %dma_start3A_85 = tpu.memref_slice %arg2[%mul3A_9, %dma_start3A_84] : memref<1280x128xi32, #tpu.memory_space<hbm>> -> memref<40x128xi32, #tpu.memory_space<hbm>>
      %dma_start3A_86 = arith.constant 0 : i32
      %dma_start3A_87 = tpu.memref_slice %arg2[%mul3A_9, %dma_start3A_86] : memref<1280x128xi32, #tpu.memory_space<hbm>> -> memref<40x128xi32, #tpu.memory_space<hbm>>
      tpu.enqueue_dma source(%dma_start3A_87 : memref<40x128xi32, #tpu.memory_space<hbm>>) target(%arg8 : memref<40x128xi32, #tpu.memory_space<vmem>>) target_semaphore(%run_scoped3A : memref<!tpu.dma_semaphore, #tpu.memory_space<semaphore_mem>>)
      %dma_wait3A_88 = arith.constant 0 : i32
      %dma_wait3A_89 = tpu.memref_slice %arg2[%mul3A_9, %dma_wait3A_88] : memref<1280x128xi32, #tpu.memory_space<hbm>> -> memref<40x128xi32, #tpu.memory_space<hbm>>
      %dma_wait3A_90 = arith.constant 0 : i32
      %dma_wait3A_91 = tpu.memref_slice %arg2[%mul3A_9, %dma_wait3A_90] : memref<1280x128xi32, #tpu.memory_space<hbm>> -> memref<40x128xi32, #tpu.memory_space<hbm>>
      tpu.wait_dma2 semaphore(%run_scoped3A : memref<!tpu.dma_semaphore, #tpu.memory_space<semaphore_mem>>) src(%dma_wait3A_91 : memref<40x128xi32, #tpu.memory_space<hbm>>) dst(%arg8 : memref<40x128xi32, #tpu.memory_space<vmem>>)
      tpu.yield
    }) : () -> ()
    %mul3A_10 = arith.constant 40 : i32
    %mul3A_11 = arith.muli %add3A, %mul3A_10 : i32
    "tpu.region"() ({
      %run_scoped3A = tpu.sem_alloc : memref<!tpu.dma_semaphore, #tpu.memory_space<semaphore_mem>>
      %dma_start3A_84 = arith.constant 0 : i32
      %dma_start3A_85 = tpu.memref_slice %arg3[%mul3A_11, %dma_start3A_84] : memref<1280x128xi32, #tpu.memory_space<hbm>> -> memref<40x128xi32, #tpu.memory_space<hbm>>
      %dma_start3A_86 = arith.constant 0 : i32
      %dma_start3A_87 = tpu.memref_slice %arg3[%mul3A_11, %dma_start3A_86] : memref<1280x128xi32, #tpu.memory_space<hbm>> -> memref<40x128xi32, #tpu.memory_space<hbm>>
      tpu.enqueue_dma source(%dma_start3A_87 : memref<40x128xi32, #tpu.memory_space<hbm>>) target(%arg9 : memref<40x128xi32, #tpu.memory_space<vmem>>) target_semaphore(%run_scoped3A : memref<!tpu.dma_semaphore, #tpu.memory_space<semaphore_mem>>)
      %dma_wait3A_88 = arith.constant 0 : i32
      %dma_wait3A_89 = tpu.memref_slice %arg3[%mul3A_11, %dma_wait3A_88] : memref<1280x128xi32, #tpu.memory_space<hbm>> -> memref<40x128xi32, #tpu.memory_space<hbm>>
      %dma_wait3A_90 = arith.constant 0 : i32
      %dma_wait3A_91 = tpu.memref_slice %arg3[%mul3A_11, %dma_wait3A_90] : memref<1280x128xi32, #tpu.memory_space<hbm>> -> memref<40x128xi32, #tpu.memory_space<hbm>>
      tpu.wait_dma2 semaphore(%run_scoped3A : memref<!tpu.dma_semaphore, #tpu.memory_space<semaphore_mem>>) src(%dma_wait3A_91 : memref<40x128xi32, #tpu.memory_space<hbm>>) dst(%arg9 : memref<40x128xi32, #tpu.memory_space<vmem>>)
      tpu.yield
    }) : () -> ()
    %barrier3A = arith.constant 0 : index
    tpu.barrier barrier_id(%barrier3A)
    %dma_start3A = arith.constant 0 : i32
    %dma_start3A_12 = arith.constant 0 : i32
    %dma_start3A_13 = arith.constant 0 : i32
    %dma_start3A_14 = arith.constant 0 : i32
    %dma_start3A_15 = arith.constant 0 : i32
    %dma_start3A_16 = tpu.memref_slice %arg10[%dma_start3A_12, %dma_start3A_14, %dma_start3A_15] : memref<2x128x16xf32, #tpu.memory_space<vmem>> -> memref<1x128x16xf32, #tpu.memory_space<vmem>>
    %dma_start3A_17 = tpu.memref_squeeze %dma_start3A_16 : memref<1x128x16xf32, #tpu.memory_space<vmem>> -> memref<128x16xf32, #tpu.memory_space<vmem>>
    %dma_start3A_18 = arith.constant 0 : i32
    %dma_start3A_19 = tpu.memref_slice %arg8[%dma_start3A, %dma_start3A_18] : memref<40x128xi32, #tpu.memory_space<vmem>> -> memref<1x128xi32, #tpu.memory_space<vmem>>
    %dma_start3A_20 = tpu.memref_squeeze %dma_start3A_19 : memref<1x128xi32, #tpu.memory_space<vmem>> -> memref<128xi32, #tpu.memory_space<vmem>>
    %dma_start3A_21 = arith.constant 0 : i32
    %dma_start3A_22 = arith.constant 0 : i32
    %dma_start3A_23 = tpu.memref_slice %arg17[%dma_start3A_21, %dma_start3A_22] : memref<10240x16xf32, #tpu.memory_space<vmem_shared>> -> memref<10240x16xf32, #tpu.memory_space<vmem_shared>>
    %dma_start3A_24 = tpu.memref_slice %arg19[%dma_start3A_13] : memref<2x!tpu.dma_semaphore, #tpu.memory_space<semaphore_mem>> -> memref<1x!tpu.dma_semaphore, #tpu.memory_space<semaphore_mem>>
    %dma_start3A_25 = tpu.memref_squeeze %dma_start3A_24 : memref<1x!tpu.dma_semaphore, #tpu.memory_space<semaphore_mem>> -> memref<!tpu.dma_semaphore, #tpu.memory_space<semaphore_mem>>
    tpu.enqueue_indirect_dma source(%dma_start3A_23 : memref<10240x16xf32, #tpu.memory_space<vmem_shared>>) target(%dma_start3A_17 : memref<128x16xf32, #tpu.memory_space<vmem>>) offsets(%dma_start3A_20 : memref<128xi32, #tpu.memory_space<vmem>>) semaphore(%dma_start3A_25 : memref<!tpu.dma_semaphore, #tpu.memory_space<semaphore_mem>>)
    %dma_start3A_26 = arith.constant 0 : i32
    %dma_start3A_27 = arith.constant 0 : i32
    %dma_start3A_28 = arith.constant 0 : i32
    %dma_start3A_29 = arith.constant 0 : i32
    %dma_start3A_30 = arith.constant 0 : i32
    %dma_start3A_31 = tpu.memref_slice %arg11[%dma_start3A_27, %dma_start3A_29, %dma_start3A_30] : memref<2x128x16xf32, #tpu.memory_space<vmem>> -> memref<1x128x16xf32, #tpu.memory_space<vmem>>
    %dma_start3A_32 = tpu.memref_squeeze %dma_start3A_31 : memref<1x128x16xf32, #tpu.memory_space<vmem>> -> memref<128x16xf32, #tpu.memory_space<vmem>>
    %dma_start3A_33 = arith.constant 0 : i32
    %dma_start3A_34 = tpu.memref_slice %arg9[%dma_start3A_26, %dma_start3A_33] : memref<40x128xi32, #tpu.memory_space<vmem>> -> memref<1x128xi32, #tpu.memory_space<vmem>>
    %dma_start3A_35 = tpu.memref_squeeze %dma_start3A_34 : memref<1x128xi32, #tpu.memory_space<vmem>> -> memref<128xi32, #tpu.memory_space<vmem>>
    %dma_start3A_36 = arith.constant 0 : i32
    %dma_start3A_37 = arith.constant 0 : i32
    %dma_start3A_38 = tpu.memref_slice %arg18[%dma_start3A_36, %dma_start3A_37] : memref<10240x16xf32, #tpu.memory_space<vmem_shared>> -> memref<10240x16xf32, #tpu.memory_space<vmem_shared>>
    %dma_start3A_39 = tpu.memref_slice %arg20[%dma_start3A_28] : memref<2x!tpu.dma_semaphore, #tpu.memory_space<semaphore_mem>> -> memref<1x!tpu.dma_semaphore, #tpu.memory_space<semaphore_mem>>
    %dma_start3A_40 = tpu.memref_squeeze %dma_start3A_39 : memref<1x!tpu.dma_semaphore, #tpu.memory_space<semaphore_mem>> -> memref<!tpu.dma_semaphore, #tpu.memory_space<semaphore_mem>>
    tpu.enqueue_indirect_dma source(%dma_start3A_38 : memref<10240x16xf32, #tpu.memory_space<vmem_shared>>) target(%dma_start3A_32 : memref<128x16xf32, #tpu.memory_space<vmem>>) offsets(%dma_start3A_35 : memref<128xi32, #tpu.memory_space<vmem>>) semaphore(%dma_start3A_40 : memref<!tpu.dma_semaphore, #tpu.memory_space<semaphore_mem>>)
    %scan3A = arith.constant 0 : i32
    %scan3A_41 = arith.constant 0 : i32
    %scan3A_42 = arith.constant 40 : i32
    %scan3A_43 = arith.addi %scan3A_41, %scan3A_42 : i32
    %scan3A_44 = arith.constant 1 : i32
    %scan3A_45 = scf.for %scan3A_84 = %scan3A_41 to %scan3A_43 step %scan3A_44 iter_args(%scan3A_85 = %scan3A) -> (i32)  : i32 {
      %rem3A = arith.constant 2 : i32
      %rem3A_86 = arith.remsi %scan3A_84, %rem3A : i32
      %add3A_87 = arith.constant 1 : i32
      %add3A_88 = arith.addi %scan3A_84, %add3A_87 : i32
      %rem3A_89 = arith.constant 2 : i32
      %rem3A_90 = arith.remsi %add3A_88, %rem3A_89 : i32
      %add3A_91 = arith.constant 1 : i32
      %add3A_92 = arith.addi %scan3A_84, %add3A_91 : i32
      %lt3A = arith.constant 40 : i32
      %lt3A_93 = arith.cmpi slt, %add3A_92, %lt3A : i32
      %convert_element_type3A = arith.extui %lt3A_93 : i1 to i32
      %cond3A = arith.constant 0 : i32
      %cond3A_94 = arith.cmpi ne, %convert_element_type3A, %cond3A : i32
      scf.if %cond3A_94 {
        %add3A_147 = arith.constant 1 : i32
        %add3A_148 = arith.addi %scan3A_84, %add3A_147 : i32
        %dma_start3A_149 = arith.constant 0 : i32
        %dma_start3A_150 = arith.constant 0 : i32
        %dma_start3A_151 = tpu.memref_slice %arg10[%rem3A_90, %dma_start3A_149, %dma_start3A_150] : memref<2x128x16xf32, #tpu.memory_space<vmem>> -> memref<1x128x16xf32, #tpu.memory_space<vmem>>
        %dma_start3A_152 = tpu.memref_squeeze %dma_start3A_151 : memref<1x128x16xf32, #tpu.memory_space<vmem>> -> memref<128x16xf32, #tpu.memory_space<vmem>>
        %dma_start3A_153 = arith.constant 0 : i32
        %dma_start3A_154 = tpu.memref_slice %arg8[%add3A_148, %dma_start3A_153] : memref<40x128xi32, #tpu.memory_space<vmem>> -> memref<1x128xi32, #tpu.memory_space<vmem>>
        %dma_start3A_155 = tpu.memref_squeeze %dma_start3A_154 : memref<1x128xi32, #tpu.memory_space<vmem>> -> memref<128xi32, #tpu.memory_space<vmem>>
        %dma_start3A_156 = arith.constant 0 : i32
        %dma_start3A_157 = arith.constant 0 : i32
        %dma_start3A_158 = tpu.memref_slice %arg17[%dma_start3A_156, %dma_start3A_157] : memref<10240x16xf32, #tpu.memory_space<vmem_shared>> -> memref<10240x16xf32, #tpu.memory_space<vmem_shared>>
        %dma_start3A_159 = tpu.memref_slice %arg19[%rem3A_90] : memref<2x!tpu.dma_semaphore, #tpu.memory_space<semaphore_mem>> -> memref<1x!tpu.dma_semaphore, #tpu.memory_space<semaphore_mem>>
        %dma_start3A_160 = tpu.memref_squeeze %dma_start3A_159 : memref<1x!tpu.dma_semaphore, #tpu.memory_space<semaphore_mem>> -> memref<!tpu.dma_semaphore, #tpu.memory_space<semaphore_mem>>
        tpu.enqueue_indirect_dma source(%dma_start3A_158 : memref<10240x16xf32, #tpu.memory_space<vmem_shared>>) target(%dma_start3A_152 : memref<128x16xf32, #tpu.memory_space<vmem>>) offsets(%dma_start3A_155 : memref<128xi32, #tpu.memory_space<vmem>>) semaphore(%dma_start3A_160 : memref<!tpu.dma_semaphore, #tpu.memory_space<semaphore_mem>>)
        %add3A_161 = arith.constant 1 : i32
        %add3A_162 = arith.addi %scan3A_84, %add3A_161 : i32
        %dma_start3A_163 = arith.constant 0 : i32
        %dma_start3A_164 = arith.constant 0 : i32
        %dma_start3A_165 = tpu.memref_slice %arg11[%rem3A_90, %dma_start3A_163, %dma_start3A_164] : memref<2x128x16xf32, #tpu.memory_space<vmem>> -> memref<1x128x16xf32, #tpu.memory_space<vmem>>
        %dma_start3A_166 = tpu.memref_squeeze %dma_start3A_165 : memref<1x128x16xf32, #tpu.memory_space<vmem>> -> memref<128x16xf32, #tpu.memory_space<vmem>>
        %dma_start3A_167 = arith.constant 0 : i32
        %dma_start3A_168 = tpu.memref_slice %arg9[%add3A_162, %dma_start3A_167] : memref<40x128xi32, #tpu.memory_space<vmem>> -> memref<1x128xi32, #tpu.memory_space<vmem>>
        %dma_start3A_169 = tpu.memref_squeeze %dma_start3A_168 : memref<1x128xi32, #tpu.memory_space<vmem>> -> memref<128xi32, #tpu.memory_space<vmem>>
        %dma_start3A_170 = arith.constant 0 : i32
        %dma_start3A_171 = arith.constant 0 : i32
        %dma_start3A_172 = tpu.memref_slice %arg18[%dma_start3A_170, %dma_start3A_171] : memref<10240x16xf32, #tpu.memory_space<vmem_shared>> -> memref<10240x16xf32, #tpu.memory_space<vmem_shared>>
        %dma_start3A_173 = tpu.memref_slice %arg20[%rem3A_90] : memref<2x!tpu.dma_semaphore, #tpu.memory_space<semaphore_mem>> -> memref<1x!tpu.dma_semaphore, #tpu.memory_space<semaphore_mem>>
        %dma_start3A_174 = tpu.memref_squeeze %dma_start3A_173 : memref<1x!tpu.dma_semaphore, #tpu.memory_space<semaphore_mem>> -> memref<!tpu.dma_semaphore, #tpu.memory_space<semaphore_mem>>
        tpu.enqueue_indirect_dma source(%dma_start3A_172 : memref<10240x16xf32, #tpu.memory_space<vmem_shared>>) target(%dma_start3A_166 : memref<128x16xf32, #tpu.memory_space<vmem>>) offsets(%dma_start3A_169 : memref<128xi32, #tpu.memory_space<vmem>>) semaphore(%dma_start3A_174 : memref<!tpu.dma_semaphore, #tpu.memory_space<semaphore_mem>>)
      } else {
      }
      %dma_wait3A_95 = arith.constant 0 : i32
      %dma_wait3A_96 = arith.constant 0 : i32
      %dma_wait3A_97 = arith.constant 0 : i32
      %dma_wait3A_98 = tpu.memref_slice %arg10[%rem3A_86, %dma_wait3A_96, %dma_wait3A_97] : memref<2x128x16xf32, #tpu.memory_space<vmem>> -> memref<1x128x16xf32, #tpu.memory_space<vmem>>
      %dma_wait3A_99 = tpu.memref_squeeze %dma_wait3A_98 : memref<1x128x16xf32, #tpu.memory_space<vmem>> -> memref<128x16xf32, #tpu.memory_space<vmem>>
      %dma_wait3A_100 = arith.constant 0 : i32
      %dma_wait3A_101 = tpu.memref_slice %arg8[%dma_wait3A_95, %dma_wait3A_100] : memref<40x128xi32, #tpu.memory_space<vmem>> -> memref<1x128xi32, #tpu.memory_space<vmem>>
      %dma_wait3A_102 = tpu.memref_squeeze %dma_wait3A_101 : memref<1x128xi32, #tpu.memory_space<vmem>> -> memref<128xi32, #tpu.memory_space<vmem>>
      %dma_wait3A_103 = arith.constant 0 : i32
      %dma_wait3A_104 = arith.constant 0 : i32
      %dma_wait3A_105 = tpu.memref_slice %arg17[%dma_wait3A_103, %dma_wait3A_104] : memref<10240x16xf32, #tpu.memory_space<vmem_shared>> -> memref<10240x16xf32, #tpu.memory_space<vmem_shared>>
      %dma_wait3A_106 = tpu.memref_slice %arg19[%rem3A_86] : memref<2x!tpu.dma_semaphore, #tpu.memory_space<semaphore_mem>> -> memref<1x!tpu.dma_semaphore, #tpu.memory_space<semaphore_mem>>
      %dma_wait3A_107 = tpu.memref_squeeze %dma_wait3A_106 : memref<1x!tpu.dma_semaphore, #tpu.memory_space<semaphore_mem>> -> memref<!tpu.dma_semaphore, #tpu.memory_space<semaphore_mem>>
      tpu.wait_indirect_dma semaphore(%dma_wait3A_107 : memref<!tpu.dma_semaphore, #tpu.memory_space<semaphore_mem>>) src(%dma_wait3A_105 : memref<10240x16xf32, #tpu.memory_space<vmem_shared>>) dst(%dma_wait3A_99 : memref<128x16xf32, #tpu.memory_space<vmem>>)
      %dma_wait3A_108 = arith.constant 0 : i32
      %dma_wait3A_109 = arith.constant 0 : i32
      %dma_wait3A_110 = arith.constant 0 : i32
      %dma_wait3A_111 = tpu.memref_slice %arg11[%rem3A_86, %dma_wait3A_109, %dma_wait3A_110] : memref<2x128x16xf32, #tpu.memory_space<vmem>> -> memref<1x128x16xf32, #tpu.memory_space<vmem>>
      %dma_wait3A_112 = tpu.memref_squeeze %dma_wait3A_111 : memref<1x128x16xf32, #tpu.memory_space<vmem>> -> memref<128x16xf32, #tpu.memory_space<vmem>>
      %dma_wait3A_113 = arith.constant 0 : i32
      %dma_wait3A_114 = tpu.memref_slice %arg9[%dma_wait3A_108, %dma_wait3A_113] : memref<40x128xi32, #tpu.memory_space<vmem>> -> memref<1x128xi32, #tpu.memory_space<vmem>>
      %dma_wait3A_115 = tpu.memref_squeeze %dma_wait3A_114 : memref<1x128xi32, #tpu.memory_space<vmem>> -> memref<128xi32, #tpu.memory_space<vmem>>
      %dma_wait3A_116 = arith.constant 0 : i32
      %dma_wait3A_117 = arith.constant 0 : i32
      %dma_wait3A_118 = tpu.memref_slice %arg18[%dma_wait3A_116, %dma_wait3A_117] : memref<10240x16xf32, #tpu.memory_space<vmem_shared>> -> memref<10240x16xf32, #tpu.memory_space<vmem_shared>>
      %dma_wait3A_119 = tpu.memref_slice %arg20[%rem3A_86] : memref<2x!tpu.dma_semaphore, #tpu.memory_space<semaphore_mem>> -> memref<1x!tpu.dma_semaphore, #tpu.memory_space<semaphore_mem>>
      %dma_wait3A_120 = tpu.memref_squeeze %dma_wait3A_119 : memref<1x!tpu.dma_semaphore, #tpu.memory_space<semaphore_mem>> -> memref<!tpu.dma_semaphore, #tpu.memory_space<semaphore_mem>>
      tpu.wait_indirect_dma semaphore(%dma_wait3A_120 : memref<!tpu.dma_semaphore, #tpu.memory_space<semaphore_mem>>) src(%dma_wait3A_118 : memref<10240x16xf32, #tpu.memory_space<vmem_shared>>) dst(%dma_wait3A_112 : memref<128x16xf32, #tpu.memory_space<vmem>>)
      %ge3A = arith.constant 2 : i32
      %ge3A_121 = arith.cmpi sge, %scan3A_84, %ge3A : i32
      %convert_element_type3A_122 = arith.extui %ge3A_121 : i1 to i32
      %cond3A_123 = arith.constant 0 : i32
      %cond3A_124 = arith.cmpi ne, %convert_element_type3A_122, %cond3A_123 : i32
      scf.if %cond3A_124 {
        %dma_wait3A_147 = arith.constant 0 : i32
        %dma_wait3A_148 = arith.constant 0 : i32
        %dma_wait3A_149 = arith.constant 0 : i32
        %dma_wait3A_150 = tpu.memref_slice %arg12[%rem3A_86, %dma_wait3A_148, %dma_wait3A_149] : memref<2x128x16xf32, #tpu.memory_space<vmem>> -> memref<1x128x16xf32, #tpu.memory_space<vmem>>
        %dma_wait3A_151 = tpu.memref_squeeze %dma_wait3A_150 : memref<1x128x16xf32, #tpu.memory_space<vmem>> -> memref<128x16xf32, #tpu.memory_space<vmem>>
        %dma_wait3A_152 = arith.constant 0 : i32
        %dma_wait3A_153 = tpu.memref_slice %arg8[%dma_wait3A_147, %dma_wait3A_152] : memref<40x128xi32, #tpu.memory_space<vmem>> -> memref<1x128xi32, #tpu.memory_space<vmem>>
        %dma_wait3A_154 = tpu.memref_squeeze %dma_wait3A_153 : memref<1x128xi32, #tpu.memory_space<vmem>> -> memref<128xi32, #tpu.memory_space<vmem>>
        %dma_wait3A_155 = arith.constant 0 : i32
        %dma_wait3A_156 = arith.constant 0 : i32
        %dma_wait3A_157 = tpu.memref_slice %arg15[%dma_wait3A_155, %dma_wait3A_156] : memref<10240x16xf32, #tpu.memory_space<vmem_shared>> -> memref<10240x16xf32, #tpu.memory_space<vmem_shared>>
        %dma_wait3A_158 = tpu.memref_slice %arg21[%rem3A_86] : memref<2x!tpu.dma_semaphore, #tpu.memory_space<semaphore_mem>> -> memref<1x!tpu.dma_semaphore, #tpu.memory_space<semaphore_mem>>
        %dma_wait3A_159 = tpu.memref_squeeze %dma_wait3A_158 : memref<1x!tpu.dma_semaphore, #tpu.memory_space<semaphore_mem>> -> memref<!tpu.dma_semaphore, #tpu.memory_space<semaphore_mem>>
        tpu.wait_indirect_dma semaphore(%dma_wait3A_159 : memref<!tpu.dma_semaphore, #tpu.memory_space<semaphore_mem>>) src(%dma_wait3A_151 : memref<128x16xf32, #tpu.memory_space<vmem>>) dst(%dma_wait3A_157 : memref<10240x16xf32, #tpu.memory_space<vmem_shared>>)
      } else {
      }
      %parallel_loop3A_125 = arith.constant 0 : i32
      %parallel_loop3A_126 = arith.constant 128 : i32
      %parallel_loop3A_127 = arith.constant 1 : i32
      scf.for %parallel_loop3A_147 = %parallel_loop3A_125 to %parallel_loop3A_126 step %parallel_loop3A_127  : i32 {
        %parallel_loop3A_148 = arith.index_cast %rem3A_86 : i32 to index
        %parallel_loop3A_149 = arith.index_cast %parallel_loop3A_147 : i32 to index
        %parallel_loop3A_150 = arith.constant 0 : index
        %parallel_loop3A_151 = tpu.vector_load %arg10[%parallel_loop3A_148, %parallel_loop3A_149, %parallel_loop3A_150] {strides = array<i32>} : memref<2x128x16xf32, #tpu.memory_space<vmem>>, vector<1x1x16xf32>,
        %parallel_loop3A_152 = vector.shape_cast %parallel_loop3A_151 : vector<1x1x16xf32> to vector<16xf32>
        %parallel_loop3A_153 = arith.index_cast %rem3A_86 : i32 to index
        %parallel_loop3A_154 = arith.index_cast %parallel_loop3A_147 : i32 to index
        %parallel_loop3A_155 = arith.constant 0 : index
        %parallel_loop3A_156 = tpu.vector_load %arg11[%parallel_loop3A_153, %parallel_loop3A_154, %parallel_loop3A_155] {strides = array<i32>} : memref<2x128x16xf32, #tpu.memory_space<vmem>>, vector<1x1x16xf32>,
        %parallel_loop3A_157 = vector.shape_cast %parallel_loop3A_156 : vector<1x1x16xf32> to vector<16xf32>
        %parallel_loop3A_158 = arith.addf %parallel_loop3A_152, %parallel_loop3A_157 : vector<16xf32>
        %parallel_loop3A_159 = arith.constant 0.000000e+00 : f32
        %parallel_loop3A_160 = vector.broadcast %parallel_loop3A_159 : f32 to vector<16xf32>
        %parallel_loop3A_161 = arith.cmpf oge, %parallel_loop3A_158, %parallel_loop3A_160 : vector<16xf32>
        %parallel_loop3A_162 = arith.constant 2.000000e-01 : f32
        %parallel_loop3A_163 = vector.broadcast %parallel_loop3A_162 : f32 to vector<16xf32>
        %parallel_loop3A_164 = arith.mulf %parallel_loop3A_163, %parallel_loop3A_158 : vector<16xf32>
        %parallel_loop3A_165 = arith.select %parallel_loop3A_161, %parallel_loop3A_158, %parallel_loop3A_164 : vector<16xi1>, vector<16xf32>
        %parallel_loop3A_166 = math.exp %parallel_loop3A_165 : vector<16xf32>
        %parallel_loop3A_167 = arith.index_cast %rem3A_86 : i32 to index
        %parallel_loop3A_168 = arith.index_cast %parallel_loop3A_147 : i32 to index
        %parallel_loop3A_169 = arith.constant 0 : index
        %parallel_loop3A_170 = tpu.vector_load %arg12[%parallel_loop3A_167, %parallel_loop3A_168, %parallel_loop3A_169] {strides = array<i32>} : memref<2x128x16xf32, #tpu.memory_space<vmem>>, vector<1x1x16xf32>,
        %parallel_loop3A_171 = vector.shape_cast %parallel_loop3A_170 : vector<1x1x16xf32> to vector<16xf32>
        %parallel_loop3A_172 = vector.shape_cast %parallel_loop3A_166 : vector<16xf32> to vector<1x1x16xf32>
        tpu.vector_store %arg12[%parallel_loop3A_167, %parallel_loop3A_168, %parallel_loop3A_169], %parallel_loop3A_172 {strides = array<i32>} : memref<2x128x16xf32, #tpu.memory_space<vmem>>, vector<1x1x16xf32>,
      } {sc.loop_unroll_factor = 8 : i64, sc.parallel_access}
      %dma_start3A_128 = arith.constant 0 : i32
      %dma_start3A_129 = arith.constant 0 : i32
      %dma_start3A_130 = tpu.memref_slice %arg12[%rem3A_86, %dma_start3A_128, %dma_start3A_129] : memref<2x128x16xf32, #tpu.memory_space<vmem>> -> memref<1x128x16xf32, #tpu.memory_space<vmem>>
      %dma_start3A_131 = tpu.memref_squeeze %dma_start3A_130 : memref<1x128x16xf32, #tpu.memory_space<vmem>> -> memref<128x16xf32, #tpu.memory_space<vmem>>
      %dma_start3A_132 = arith.constant 0 : i32
      %dma_start3A_133 = tpu.memref_slice %arg8[%scan3A_84, %dma_start3A_132] : memref<40x128xi32, #tpu.memory_space<vmem>> -> memref<1x128xi32, #tpu.memory_space<vmem>>
      %dma_start3A_134 = tpu.memref_squeeze %dma_start3A_133 : memref<1x128xi32, #tpu.memory_space<vmem>> -> memref<128xi32, #tpu.memory_space<vmem>>
      %dma_start3A_135 = arith.constant 0 : i32
      %dma_start3A_136 = arith.constant 0 : i32
      %dma_start3A_137 = tpu.memref_slice %arg15[%dma_start3A_135, %dma_start3A_136] : memref<10240x16xf32, #tpu.memory_space<vmem_shared>> -> memref<10240x16xf32, #tpu.memory_space<vmem_shared>>
      %dma_start3A_138 = tpu.memref_slice %arg21[%rem3A_86] : memref<2x!tpu.dma_semaphore, #tpu.memory_space<semaphore_mem>> -> memref<1x!tpu.dma_semaphore, #tpu.memory_space<semaphore_mem>>
      %dma_start3A_139 = tpu.memref_squeeze %dma_start3A_138 : memref<1x!tpu.dma_semaphore, #tpu.memory_space<semaphore_mem>> -> memref<!tpu.dma_semaphore, #tpu.memory_space<semaphore_mem>>
      tpu.enqueue_indirect_dma source(%dma_start3A_131 : memref<128x16xf32, #tpu.memory_space<vmem>>) target(%dma_start3A_137 : memref<10240x16xf32, #tpu.memory_space<vmem_shared>>) offsets(%dma_start3A_134 : memref<128xi32, #tpu.memory_space<vmem>>) semaphore(%dma_start3A_139 : memref<!tpu.dma_semaphore, #tpu.memory_space<semaphore_mem>>) {add = true}
      %dma_start3A_140 = arith.constant 0 : i32
      %dma_start3A_141 = tpu.memref_slice %arg9[%scan3A_84, %dma_start3A_140] : memref<40x128xi32, #tpu.memory_space<vmem>> -> memref<1x128xi32, #tpu.memory_space<vmem>>
      %dma_start3A_142 = tpu.memref_squeeze %dma_start3A_141 : memref<1x128xi32, #tpu.memory_space<vmem>> -> memref<128xi32, #tpu.memory_space<vmem>>
      %dma_start3A_143 = arith.constant 0 : i32
      %dma_start3A_144 = arith.constant 0 : i32
      %dma_start3A_145 = tpu.memref_slice %arg16[%dma_start3A_143, %dma_start3A_144] : memref<10240x16xf32, #tpu.memory_space<vmem_shared>> -> memref<10240x16xf32, #tpu.memory_space<vmem_shared>>
      tpu.enqueue_indirect_dma source(%arg13 : memref<128x16xf32, #tpu.memory_space<vmem>>) target(%dma_start3A_145 : memref<10240x16xf32, #tpu.memory_space<vmem_shared>>) offsets(%dma_start3A_142 : memref<128xi32, #tpu.memory_space<vmem>>) semaphore(%arg22 : memref<!tpu.dma_semaphore, #tpu.memory_space<semaphore_mem>>) {add = true}
      %scan3A_146 = arith.constant 0 : i32
      scf.yield %scan3A_146 : i32
    }
    %scan3A_46 = arith.constant 40 : i32
    %dma_wait3A = arith.constant 0 : i32
    %dma_wait3A_47 = arith.constant 0 : i32
    %dma_wait3A_48 = arith.constant 0 : i32
    %dma_wait3A_49 = arith.constant 0 : i32
    %dma_wait3A_50 = arith.constant 0 : i32
    %dma_wait3A_51 = tpu.memref_slice %arg12[%dma_wait3A, %dma_wait3A_49, %dma_wait3A_50] : memref<2x128x16xf32, #tpu.memory_space<vmem>> -> memref<1x128x16xf32, #tpu.memory_space<vmem>>
    %dma_wait3A_52 = tpu.memref_squeeze %dma_wait3A_51 : memref<1x128x16xf32, #tpu.memory_space<vmem>> -> memref<128x16xf32, #tpu.memory_space<vmem>>
    %dma_wait3A_53 = arith.constant 0 : i32
    %dma_wait3A_54 = tpu.memref_slice %arg8[%dma_wait3A_47, %dma_wait3A_53] : memref<40x128xi32, #tpu.memory_space<vmem>> -> memref<1x128xi32, #tpu.memory_space<vmem>>
    %dma_wait3A_55 = tpu.memref_squeeze %dma_wait3A_54 : memref<1x128xi32, #tpu.memory_space<vmem>> -> memref<128xi32, #tpu.memory_space<vmem>>
    %dma_wait3A_56 = arith.constant 0 : i32
    %dma_wait3A_57 = arith.constant 0 : i32
    %dma_wait3A_58 = tpu.memref_slice %arg15[%dma_wait3A_56, %dma_wait3A_57] : memref<10240x16xf32, #tpu.memory_space<vmem_shared>> -> memref<10240x16xf32, #tpu.memory_space<vmem_shared>>
    %dma_wait3A_59 = tpu.memref_slice %arg21[%dma_wait3A_48] : memref<2x!tpu.dma_semaphore, #tpu.memory_space<semaphore_mem>> -> memref<1x!tpu.dma_semaphore, #tpu.memory_space<semaphore_mem>>
    %dma_wait3A_60 = tpu.memref_squeeze %dma_wait3A_59 : memref<1x!tpu.dma_semaphore, #tpu.memory_space<semaphore_mem>> -> memref<!tpu.dma_semaphore, #tpu.memory_space<semaphore_mem>>
    tpu.wait_indirect_dma semaphore(%dma_wait3A_60 : memref<!tpu.dma_semaphore, #tpu.memory_space<semaphore_mem>>) src(%dma_wait3A_52 : memref<128x16xf32, #tpu.memory_space<vmem>>) dst(%dma_wait3A_58 : memref<10240x16xf32, #tpu.memory_space<vmem_shared>>)
    %dma_wait3A_61 = arith.constant 1 : i32
    %dma_wait3A_62 = arith.constant 0 : i32
    %dma_wait3A_63 = arith.constant 1 : i32
    %dma_wait3A_64 = arith.constant 0 : i32
    %dma_wait3A_65 = arith.constant 0 : i32
    %dma_wait3A_66 = tpu.memref_slice %arg12[%dma_wait3A_61, %dma_wait3A_64, %dma_wait3A_65] : memref<2x128x16xf32, #tpu.memory_space<vmem>> -> memref<1x128x16xf32, #tpu.memory_space<vmem>>
    %dma_wait3A_67 = tpu.memref_squeeze %dma_wait3A_66 : memref<1x128x16xf32, #tpu.memory_space<vmem>> -> memref<128x16xf32, #tpu.memory_space<vmem>>
    %dma_wait3A_68 = arith.constant 0 : i32
    %dma_wait3A_69 = tpu.memref_slice %arg8[%dma_wait3A_62, %dma_wait3A_68] : memref<40x128xi32, #tpu.memory_space<vmem>> -> memref<1x128xi32, #tpu.memory_space<vmem>>
    %dma_wait3A_70 = tpu.memref_squeeze %dma_wait3A_69 : memref<1x128xi32, #tpu.memory_space<vmem>> -> memref<128xi32, #tpu.memory_space<vmem>>
    %dma_wait3A_71 = arith.constant 0 : i32
    %dma_wait3A_72 = arith.constant 0 : i32
    %dma_wait3A_73 = tpu.memref_slice %arg15[%dma_wait3A_71, %dma_wait3A_72] : memref<10240x16xf32, #tpu.memory_space<vmem_shared>> -> memref<10240x16xf32, #tpu.memory_space<vmem_shared>>
    %dma_wait3A_74 = tpu.memref_slice %arg21[%dma_wait3A_63] : memref<2x!tpu.dma_semaphore, #tpu.memory_space<semaphore_mem>> -> memref<1x!tpu.dma_semaphore, #tpu.memory_space<semaphore_mem>>
    %dma_wait3A_75 = tpu.memref_squeeze %dma_wait3A_74 : memref<1x!tpu.dma_semaphore, #tpu.memory_space<semaphore_mem>> -> memref<!tpu.dma_semaphore, #tpu.memory_space<semaphore_mem>>
    tpu.wait_indirect_dma semaphore(%dma_wait3A_75 : memref<!tpu.dma_semaphore, #tpu.memory_space<semaphore_mem>>) src(%dma_wait3A_67 : memref<128x16xf32, #tpu.memory_space<vmem>>) dst(%dma_wait3A_73 : memref<10240x16xf32, #tpu.memory_space<vmem_shared>>)
    %scan3A_76 = arith.constant 0 : i32
    %scan3A_77 = arith.constant 0 : i32
    %scan3A_78 = arith.constant 40 : i32
    %scan3A_79 = arith.addi %scan3A_77, %scan3A_78 : i32
    %scan3A_80 = arith.constant 1 : i32
    %scan3A_81 = scf.for %scan3A_84 = %scan3A_77 to %scan3A_79 step %scan3A_80 iter_args(%scan3A_85 = %scan3A_76) -> (i32)  : i32 {
      %dma_wait3A_86 = arith.constant 0 : i32
      %dma_wait3A_87 = arith.constant 0 : i32
      %dma_wait3A_88 = tpu.memref_slice %arg9[%dma_wait3A_86, %dma_wait3A_87] : memref<40x128xi32, #tpu.memory_space<vmem>> -> memref<1x128xi32, #tpu.memory_space<vmem>>
      %dma_wait3A_89 = tpu.memref_squeeze %dma_wait3A_88 : memref<1x128xi32, #tpu.memory_space<vmem>> -> memref<128xi32, #tpu.memory_space<vmem>>
      %dma_wait3A_90 = arith.constant 0 : i32
      %dma_wait3A_91 = arith.constant 0 : i32
      %dma_wait3A_92 = tpu.memref_slice %arg16[%dma_wait3A_90, %dma_wait3A_91] : memref<10240x16xf32, #tpu.memory_space<vmem_shared>> -> memref<10240x16xf32, #tpu.memory_space<vmem_shared>>
      tpu.wait_indirect_dma semaphore(%arg22 : memref<!tpu.dma_semaphore, #tpu.memory_space<semaphore_mem>>) src(%arg13 : memref<128x16xf32, #tpu.memory_space<vmem>>) dst(%dma_wait3A_92 : memref<10240x16xf32, #tpu.memory_space<vmem_shared>>)
      %scan3A_93 = arith.constant 0 : i32
      scf.yield %scan3A_93 : i32
    }
    %scan3A_82 = arith.constant 40 : i32
    %barrier3A_83 = arith.constant 0 : index
    tpu.barrier barrier_id(%barrier3A_83)
    "tpu.region"() ({
      %run_scoped3A = tpu.sem_alloc : memref<!tpu.dma_semaphore, #tpu.memory_space<semaphore_mem>>
      %dma_start3A_84 = arith.constant 0 : i32
      %dma_start3A_85 = tpu.memref_slice %arg6[%arg0, %mul3A_2, %dma_start3A_84] : memref<2x10240x16xf32, #tpu.memory_space<hbm>> -> memref<1x640x16xf32, #tpu.memory_space<hbm>>
      %dma_start3A_86 = tpu.memref_squeeze %dma_start3A_85 : memref<1x640x16xf32, #tpu.memory_space<hbm>> -> memref<640x16xf32, #tpu.memory_space<hbm>>
      %dma_start3A_87 = arith.constant 0 : i32
      %dma_start3A_88 = tpu.memref_slice %arg15[%mul3A_2, %dma_start3A_87] : memref<10240x16xf32, #tpu.memory_space<vmem_shared>> -> memref<640x16xf32, #tpu.memory_space<vmem_shared>>
      tpu.enqueue_dma source(%dma_start3A_88 : memref<640x16xf32, #tpu.memory_space<vmem_shared>>) target(%dma_start3A_86 : memref<640x16xf32, #tpu.memory_space<hbm>>) target_semaphore(%run_scoped3A : memref<!tpu.dma_semaphore, #tpu.memory_space<semaphore_mem>>)
      %dma_wait3A_89 = arith.constant 0 : i32
      %dma_wait3A_90 = tpu.memref_slice %arg6[%arg0, %mul3A_2, %dma_wait3A_89] : memref<2x10240x16xf32, #tpu.memory_space<hbm>> -> memref<1x640x16xf32, #tpu.memory_space<hbm>>
      %dma_wait3A_91 = tpu.memref_squeeze %dma_wait3A_90 : memref<1x640x16xf32, #tpu.memory_space<hbm>> -> memref<640x16xf32, #tpu.memory_space<hbm>>
      %dma_wait3A_92 = arith.constant 0 : i32
      %dma_wait3A_93 = tpu.memref_slice %arg15[%mul3A_2, %dma_wait3A_92] : memref<10240x16xf32, #tpu.memory_space<vmem_shared>> -> memref<640x16xf32, #tpu.memory_space<vmem_shared>>
      tpu.wait_dma2 semaphore(%run_scoped3A : memref<!tpu.dma_semaphore, #tpu.memory_space<semaphore_mem>>) src(%dma_wait3A_93 : memref<640x16xf32, #tpu.memory_space<vmem_shared>>) dst(%dma_wait3A_91 : memref<640x16xf32, #tpu.memory_space<hbm>>)
      tpu.yield
    }) : () -> ()
    "tpu.region"() ({
      %run_scoped3A = tpu.sem_alloc : memref<!tpu.dma_semaphore, #tpu.memory_space<semaphore_mem>>
      %dma_start3A_84 = arith.constant 0 : i32
      %dma_start3A_85 = tpu.memref_slice %arg7[%arg0, %mul3A_2, %dma_start3A_84] : memref<2x10240x16xf32, #tpu.memory_space<hbm>> -> memref<1x640x16xf32, #tpu.memory_space<hbm>>
      %dma_start3A_86 = tpu.memref_squeeze %dma_start3A_85 : memref<1x640x16xf32, #tpu.memory_space<hbm>> -> memref<640x16xf32, #tpu.memory_space<hbm>>
      %dma_start3A_87 = arith.constant 0 : i32
      %dma_start3A_88 = tpu.memref_slice %arg16[%mul3A_2, %dma_start3A_87] : memref<10240x16xf32, #tpu.memory_space<vmem_shared>> -> memref<640x16xf32, #tpu.memory_space<vmem_shared>>
      tpu.enqueue_dma source(%dma_start3A_88 : memref<640x16xf32, #tpu.memory_space<vmem_shared>>) target(%dma_start3A_86 : memref<640x16xf32, #tpu.memory_space<hbm>>) target_semaphore(%run_scoped3A : memref<!tpu.dma_semaphore, #tpu.memory_space<semaphore_mem>>)
      %dma_wait3A_89 = arith.constant 0 : i32
      %dma_wait3A_90 = tpu.memref_slice %arg7[%arg0, %mul3A_2, %dma_wait3A_89] : memref<2x10240x16xf32, #tpu.memory_space<hbm>> -> memref<1x640x16xf32, #tpu.memory_space<hbm>>
      %dma_wait3A_91 = tpu.memref_squeeze %dma_wait3A_90 : memref<1x640x16xf32, #tpu.memory_space<hbm>> -> memref<640x16xf32, #tpu.memory_space<hbm>>
      %dma_wait3A_92 = arith.constant 0 : i32
      %dma_wait3A_93 = tpu.memref_slice %arg16[%mul3A_2, %dma_wait3A_92] : memref<10240x16xf32, #tpu.memory_space<vmem_shared>> -> memref<640x16xf32, #tpu.memory_space<vmem_shared>>
      tpu.wait_dma2 semaphore(%run_scoped3A : memref<!tpu.dma_semaphore, #tpu.memory_space<semaphore_mem>>) src(%dma_wait3A_93 : memref<640x16xf32, #tpu.memory_space<vmem_shared>>) dst(%dma_wait3A_91 : memref<640x16xf32, #tpu.memory_space<hbm>>)
      tpu.yield
    }) : () -> ()
    return
  }
}

module attributes {stable_mosaic.version = 14 : i64} {
  func.func @_tc_lin_body(%arg0: i32, %arg1: memref<512x256xf32, #tpu.memory_space<vmem>>, %arg2: memref<256x128xf32, #tpu.memory_space<vmem>>, %arg3: memref<128x32xf32, #tpu.memory_space<vmem>>, %arg4: memref<512x128xf32, #tpu.memory_space<vmem>>, %arg5: memref<512x16xf32, #tpu.memory_space<vmem>>, %arg6: memref<512x16xf32, #tpu.memory_space<vmem>>) attributes {dimension_semantics = [#tpu.dimension_semantics<arbitrary>], iteration_bounds = array<i64: 20>, scalar_prefetch = 0 : i64, scratch_operands = 0 : i64, tpu.core_type = #tpu.core_type<tc>, window_params = [{transform_indices = @transform_0, window_bounds = array<i64: 512, 256>}, {pipeline_mode = #tpu.pipeline_mode<synchronous>, transform_indices = @transform_1, window_bounds = array<i64: 256, 128>}, {pipeline_mode = #tpu.pipeline_mode<synchronous>, transform_indices = @transform_2, window_bounds = array<i64: 128, 32>}, {transform_indices = @transform_3, window_bounds = array<i64: 512, 128>}, {transform_indices = @transform_4, window_bounds = array<i64: 512, 16>}, {transform_indices = @transform_5, window_bounds = array<i64: 512, 16>}]} {
    %get3A = arith.constant 0 : index
    %get3A_0 = arith.constant 0 : index
    %get3A_1 = vector.load %arg1[%get3A, %get3A_0] : memref<512x256xf32, #tpu.memory_space<vmem>>, vector<512x256xf32>
    %get3A_2 = arith.constant 0 : index
    %get3A_3 = arith.constant 0 : index
    %get3A_4 = vector.load %arg2[%get3A_2, %get3A_3] : memref<256x128xf32, #tpu.memory_space<vmem>>, vector<256x128xf32>
    %dot_general3A = arith.constant dense<0.000000e+00> : vector<512x128xf32>
    %dot_general3A_5 = tpu.matmul %get3A_1, %get3A_4, %dot_general3A {dimension_numbers = #tpu.dot_dimension_numbers<[1], [0], [0], [1], [0, 0, 1, 1], [], []>, transpose_lhs_hint = false} : vector<512x256xf32>, vector<256x128xf32>, vector<512x128xf32> -> vector<512x128xf32>
    %swap3A = arith.constant 0 : index
    %swap3A_6 = arith.constant 0 : index
    %swap3A_7 = vector.load %arg4[%swap3A, %swap3A_6] : memref<512x128xf32, #tpu.memory_space<vmem>>, vector<512x128xf32>
    tpu.vector_store %arg4[%swap3A, %swap3A_6], %dot_general3A_5 {strides = array<i32>} : memref<512x128xf32, #tpu.memory_space<vmem>>, vector<512x128xf32>,
    %get3A_8 = arith.constant 0 : index
    %get3A_9 = arith.constant 0 : index
    %get3A_10 = vector.load %arg3[%get3A_8, %get3A_9] : memref<128x32xf32, #tpu.memory_space<vmem>>, vector<128x32xf32>
    %dot_general3A_11 = arith.constant dense<0.000000e+00> : vector<512x32xf32>
    %dot_general3A_12 = tpu.matmul %dot_general3A_5, %get3A_10, %dot_general3A_11 {dimension_numbers = #tpu.dot_dimension_numbers<[1], [0], [0], [1], [0, 0, 1, 1], [], []>, transpose_lhs_hint = false} : vector<512x128xf32>, vector<128x32xf32>, vector<512x32xf32> -> vector<512x32xf32>
    %slice3A = vector.extract_strided_slice %dot_general3A_12 {offsets = [0, 0], sizes = [512, 16], strides = [1, 1]} : vector<512x32xf32> to vector<512x16xf32>
    %swap3A_13 = arith.constant 0 : index
    %swap3A_14 = arith.constant 0 : index
    %swap3A_15 = vector.load %arg5[%swap3A_13, %swap3A_14] : memref<512x16xf32, #tpu.memory_space<vmem>>, vector<512x16xf32>
    tpu.vector_store %arg5[%swap3A_13, %swap3A_14], %slice3A {strides = array<i32>} : memref<512x16xf32, #tpu.memory_space<vmem>>, vector<512x16xf32>,
    %slice3A_16 = vector.extract_strided_slice %dot_general3A_12 {offsets = [0, 16], sizes = [512, 16], strides = [1, 1]} : vector<512x32xf32> to vector<512x16xf32>
    %swap3A_17 = arith.constant 0 : index
    %swap3A_18 = arith.constant 0 : index
    %swap3A_19 = vector.load %arg6[%swap3A_17, %swap3A_18] : memref<512x16xf32, #tpu.memory_space<vmem>>, vector<512x16xf32>
    tpu.vector_store %arg6[%swap3A_17, %swap3A_18], %slice3A_16 {strides = array<i32>} : memref<512x16xf32, #tpu.memory_space<vmem>>, vector<512x16xf32>,
    return
  }
  func.func @transform_0(%arg0: i32) -> (i32, i32) {
    %c0_i32 = arith.constant 0 : i32
    %c0_i32_0 = arith.constant 0 : i32
    return %arg0, %c0_i32 : i32, i32
  }
  func.func @transform_1(%arg0: i32) -> (i32, i32) {
    %c0_i32 = arith.constant 0 : i32
    %c0_i32_0 = arith.constant 0 : i32
    %c0_i32_1 = arith.constant 0 : i32
    return %c0_i32, %c0_i32_0 : i32, i32
  }
  func.func @transform_2(%arg0: i32) -> (i32, i32) {
    %c0_i32 = arith.constant 0 : i32
    %c0_i32_0 = arith.constant 0 : i32
    %c0_i32_1 = arith.constant 0 : i32
    return %c0_i32, %c0_i32_0 : i32, i32
  }
  func.func @transform_3(%arg0: i32) -> (i32, i32) {
    %c0_i32 = arith.constant 0 : i32
    %c0_i32_0 = arith.constant 0 : i32
    return %arg0, %c0_i32 : i32, i32
  }
  func.func @transform_4(%arg0: i32) -> (i32, i32) {
    %c0_i32 = arith.constant 0 : i32
    %c0_i32_0 = arith.constant 0 : i32
    return %arg0, %c0_i32 : i32, i32
  }
  func.func @transform_5(%arg0: i32) -> (i32, i32) {
    %c0_i32 = arith.constant 0 : i32
    %c0_i32_0 = arith.constant 0 : i32
    return %arg0, %c0_i32 : i32, i32
  }
}

module attributes {stable_mosaic.version = 14 : i64} {
  func.func @_tc_mid_body(%arg0: i32, %arg1: memref<2x512x16xf32, #tpu.memory_space<vmem>>, %arg2: memref<2x512x16xf32, #tpu.memory_space<vmem>>, %arg3: memref<512x128xf32, #tpu.memory_space<vmem>>, %arg4: memref<16x128xf32, #tpu.memory_space<vmem>>, %arg5: memref<512x64xf32, #tpu.memory_space<vmem>>, %arg6: memref<512x64xf32, #tpu.memory_space<vmem>>, %arg7: memref<1x16xf32, #tpu.memory_space<vmem>>) attributes {dimension_semantics = [#tpu.dimension_semantics<arbitrary>], iteration_bounds = array<i64: 20>, scalar_prefetch = 0 : i64, scratch_operands = 0 : i64, tpu.core_type = #tpu.core_type<tc>, window_params = [{transform_indices = @transform_0, window_bounds = array<i64: 2, 512, 16>}, {transform_indices = @transform_1, window_bounds = array<i64: 2, 512, 16>}, {transform_indices = @transform_2, window_bounds = array<i64: 512, 128>}, {pipeline_mode = #tpu.pipeline_mode<synchronous>, transform_indices = @transform_3, window_bounds = array<i64: 16, 128>}, {transform_indices = @transform_4, window_bounds = array<i64: 512, 64>}, {transform_indices = @transform_5, window_bounds = array<i64: 512, 64>}, {pipeline_mode = #tpu.pipeline_mode<synchronous>, transform_indices = @transform_6, window_bounds = array<i64: 1, 16>}]} {
    %get3A = arith.constant 0 : index
    %get3A_0 = arith.constant 0 : index
    %get3A_1 = arith.constant 0 : index
    %get3A_2 = vector.load %arg1[%get3A, %get3A_0, %get3A_1] : memref<2x512x16xf32, #tpu.memory_space<vmem>>, vector<1x512x16xf32>
    %get3A_3 = vector.shape_cast %get3A_2 : vector<1x512x16xf32> to vector<512x16xf32>
    %get3A_4 = arith.constant 1 : index
    %get3A_5 = arith.constant 0 : index
    %get3A_6 = arith.constant 0 : index
    %get3A_7 = vector.load %arg1[%get3A_4, %get3A_5, %get3A_6] : memref<2x512x16xf32, #tpu.memory_space<vmem>>, vector<1x512x16xf32>
    %get3A_8 = vector.shape_cast %get3A_7 : vector<1x512x16xf32> to vector<512x16xf32>
    %add3A = arith.addf %get3A_3, %get3A_8 : vector<512x16xf32>
    %get3A_9 = arith.constant 0 : index
    %get3A_10 = arith.constant 0 : index
    %get3A_11 = arith.constant 0 : index
    %get3A_12 = vector.load %arg2[%get3A_9, %get3A_10, %get3A_11] : memref<2x512x16xf32, #tpu.memory_space<vmem>>, vector<1x512x16xf32>
    %get3A_13 = vector.shape_cast %get3A_12 : vector<1x512x16xf32> to vector<512x16xf32>
    %get3A_14 = arith.constant 1 : index
    %get3A_15 = arith.constant 0 : index
    %get3A_16 = arith.constant 0 : index
    %get3A_17 = vector.load %arg2[%get3A_14, %get3A_15, %get3A_16] : memref<2x512x16xf32, #tpu.memory_space<vmem>>, vector<1x512x16xf32>
    %get3A_18 = vector.shape_cast %get3A_17 : vector<1x512x16xf32> to vector<512x16xf32>
    %add3A_19 = arith.addf %get3A_13, %get3A_18 : vector<512x16xf32>
    %get3A_20 = arith.constant 0 : index
    %get3A_21 = arith.constant 0 : index
    %get3A_22 = vector.load %arg4[%get3A_20, %get3A_21] : memref<16x128xf32, #tpu.memory_space<vmem>>, vector<16x128xf32>
    %dot_general3A = arith.constant dense<0.000000e+00> : vector<512x128xf32>
    %dot_general3A_23 = tpu.matmul %add3A, %get3A_22, %dot_general3A {dimension_numbers = #tpu.dot_dimension_numbers<[1], [0], [0], [1], [0, 0, 1, 1], [], []>, transpose_lhs_hint = false} : vector<512x16xf32>, vector<16x128xf32>, vector<512x128xf32> -> vector<512x128xf32>
    %get3A_24 = arith.constant 0 : index
    %get3A_25 = arith.constant 0 : index
    %get3A_26 = vector.load %arg3[%get3A_24, %get3A_25] : memref<512x128xf32, #tpu.memory_space<vmem>>, vector<512x128xf32>
    %mul3A = arith.mulf %dot_general3A_23, %get3A_26 : vector<512x128xf32>
    %slice3A = vector.extract_strided_slice %mul3A {offsets = [0, 0], sizes = [512, 64], strides = [1, 1]} : vector<512x128xf32> to vector<512x64xf32>
    %swap3A = arith.constant 0 : index
    %swap3A_27 = arith.constant 0 : index
    %swap3A_28 = vector.load %arg5[%swap3A, %swap3A_27] : memref<512x64xf32, #tpu.memory_space<vmem>>, vector<512x64xf32>
    tpu.vector_store %arg5[%swap3A, %swap3A_27], %slice3A {strides = array<i32>} : memref<512x64xf32, #tpu.memory_space<vmem>>, vector<512x64xf32>,
    %slice3A_29 = vector.extract_strided_slice %mul3A {offsets = [0, 64], sizes = [512, 64], strides = [1, 1]} : vector<512x128xf32> to vector<512x64xf32>
    %swap3A_30 = arith.constant 0 : index
    %swap3A_31 = arith.constant 0 : index
    %swap3A_32 = vector.load %arg6[%swap3A_30, %swap3A_31] : memref<512x64xf32, #tpu.memory_space<vmem>>, vector<512x64xf32>
    tpu.vector_store %arg6[%swap3A_30, %swap3A_31], %slice3A_29 {strides = array<i32>} : memref<512x64xf32, #tpu.memory_space<vmem>>, vector<512x64xf32>,
    %eq3A = arith.constant 0 : i32
    %eq3A_33 = arith.cmpi eq, %arg0, %eq3A : i32
    %convert_element_type3A = arith.extui %eq3A_33 : i1 to i32
    %cond3A = arith.constant 0 : i32
    %cond3A_34 = arith.cmpi ne, %convert_element_type3A, %cond3A : i32
    scf.if %cond3A_34 {
      %broadcast_in_dim3A_44 = arith.constant 0.000000e+00 : f32
      %broadcast_in_dim3A_45 = vector.broadcast %broadcast_in_dim3A_44 : f32 to vector<1x16xf32>
      %swap3A_46 = arith.constant 0 : index
      %swap3A_47 = arith.constant 0 : index
      %swap3A_48 = vector.load %arg7[%swap3A_46, %swap3A_47] : memref<1x16xf32, #tpu.memory_space<vmem>>, vector<1x16xf32>
      tpu.vector_store %arg7[%swap3A_46, %swap3A_47], %broadcast_in_dim3A_45 {strides = array<i32>} : memref<1x16xf32, #tpu.memory_space<vmem>>, vector<1x16xf32>,
    } else {
    }
    %get3A_35 = arith.constant 0 : index
    %get3A_36 = arith.constant 0 : index
    %get3A_37 = vector.load %arg7[%get3A_35, %get3A_36] : memref<1x16xf32, #tpu.memory_space<vmem>>, vector<1x16xf32>
    %mul3A_38 = arith.mulf %add3A, %add3A_19 : vector<512x16xf32>
    %reduce_sum3A = arith.constant dense<0.000000e+00> : vector<16xf32>
    %reduce_sum3A_39 = vector.multi_reduction <add>, %mul3A_38, %reduce_sum3A [0] : vector<512x16xf32> to vector<16xf32>
    %broadcast_in_dim3A = vector.shape_cast %reduce_sum3A_39 : vector<16xf32> to vector<1x16xf32>
    %add3A_40 = arith.addf %get3A_37, %broadcast_in_dim3A : vector<1x16xf32>
    %swap3A_41 = arith.constant 0 : index
    %swap3A_42 = arith.constant 0 : index
    %swap3A_43 = vector.load %arg7[%swap3A_41, %swap3A_42] : memref<1x16xf32, #tpu.memory_space<vmem>>, vector<1x16xf32>
    tpu.vector_store %arg7[%swap3A_41, %swap3A_42], %add3A_40 {strides = array<i32>} : memref<1x16xf32, #tpu.memory_space<vmem>>, vector<1x16xf32>,
    return
  }
  func.func @transform_0(%arg0: i32) -> (i32, i32, i32) {
    %c0_i32 = arith.constant 0 : i32
    %c0_i32_0 = arith.constant 0 : i32
    %c0_i32_1 = arith.constant 0 : i32
    return %c0_i32, %arg0, %c0_i32_0 : i32, i32, i32
  }
  func.func @transform_1(%arg0: i32) -> (i32, i32, i32) {
    %c0_i32 = arith.constant 0 : i32
    %c0_i32_0 = arith.constant 0 : i32
    %c0_i32_1 = arith.constant 0 : i32
    return %c0_i32, %arg0, %c0_i32_0 : i32, i32, i32
  }
  func.func @transform_2(%arg0: i32) -> (i32, i32) {
    %c0_i32 = arith.constant 0 : i32
    %c0_i32_0 = arith.constant 0 : i32
    return %arg0, %c0_i32 : i32, i32
  }
  func.func @transform_3(%arg0: i32) -> (i32, i32) {
    %c0_i32 = arith.constant 0 : i32
    %c0_i32_0 = arith.constant 0 : i32
    %c0_i32_1 = arith.constant 0 : i32
    return %c0_i32, %c0_i32_0 : i32, i32
  }
  func.func @transform_4(%arg0: i32) -> (i32, i32) {
    %c0_i32 = arith.constant 0 : i32
    %c0_i32_0 = arith.constant 0 : i32
    return %arg0, %c0_i32 : i32, i32
  }
  func.func @transform_5(%arg0: i32) -> (i32, i32) {
    %c0_i32 = arith.constant 0 : i32
    %c0_i32_0 = arith.constant 0 : i32
    return %arg0, %c0_i32 : i32, i32
  }
  func.func @transform_6(%arg0: i32) -> (i32, i32) {
    %c0_i32 = arith.constant 0 : i32
    %c0_i32_0 = arith.constant 0 : i32
    %c0_i32_1 = arith.constant 0 : i32
    return %c0_i32, %c0_i32_0 : i32, i32
  }
}

module attributes {stable_mosaic.version = 14 : i64} {
  func.func @_tc_out_body(%arg0: i32, %arg1: memref<2x2x1280x64xf32, #tpu.memory_space<vmem>>, %arg2: memref<1x16xf32, #tpu.memory_space<vmem>>, %arg3: memref<16x128xf32, #tpu.memory_space<vmem>>, %arg4: memref<1x128xf32, #tpu.memory_space<vmem>>, %arg5: memref<1280x128xf32, #tpu.memory_space<vmem>>) attributes {dimension_semantics = [#tpu.dimension_semantics<arbitrary>], iteration_bounds = array<i64: 125>, scalar_prefetch = 0 : i64, scratch_operands = 0 : i64, tpu.core_type = #tpu.core_type<tc>, window_params = [{transform_indices = @transform_0, window_bounds = array<i64: 2, 2, 1280, 64>}, {pipeline_mode = #tpu.pipeline_mode<synchronous>, transform_indices = @transform_1, window_bounds = array<i64: 1, 16>}, {pipeline_mode = #tpu.pipeline_mode<synchronous>, transform_indices = @transform_2, window_bounds = array<i64: 16, 128>}, {pipeline_mode = #tpu.pipeline_mode<synchronous>, transform_indices = @transform_3, window_bounds = array<i64: 1, 128>}, {transform_indices = @transform_4, window_bounds = array<i64: 1280, 128>}]} {
    %get3A = arith.constant 0 : index
    %get3A_0 = arith.constant 0 : index
    %get3A_1 = vector.load %arg2[%get3A, %get3A_0] : memref<1x16xf32, #tpu.memory_space<vmem>>, vector<1x16xf32>
    %add3A = arith.constant 1.000000e-16 : f32
    %add3A_2 = vector.broadcast %add3A : f32 to vector<1x16xf32>
    %add3A_3 = arith.addf %get3A_1, %add3A_2 : vector<1x16xf32>
    %div3A = arith.constant 1.000000e+00 : f32
    %div3A_4 = vector.broadcast %div3A : f32 to vector<1x16xf32>
    %div3A_5 = arith.divf %div3A_4, %add3A_3 : vector<1x16xf32>
    %get3A_6 = arith.constant 0 : index
    %get3A_7 = arith.constant 0 : index
    %get3A_8 = vector.load %arg3[%get3A_6, %get3A_7] : memref<16x128xf32, #tpu.memory_space<vmem>>, vector<16x128xf32>
    %dot_general3A = arith.constant dense<0.000000e+00> : vector<1x128xf32>
    %dot_general3A_9 = tpu.matmul %div3A_5, %get3A_8, %dot_general3A {dimension_numbers = #tpu.dot_dimension_numbers<[1], [0], [0], [1], [0, 0, 1, 1], [], []>, transpose_lhs_hint = false} : vector<1x16xf32>, vector<16x128xf32>, vector<1x128xf32> -> vector<1x128xf32>
    %get3A_10 = arith.constant 0 : index
    %get3A_11 = arith.constant 0 : index
    %get3A_12 = vector.load %arg4[%get3A_10, %get3A_11] : memref<1x128xf32, #tpu.memory_space<vmem>>, vector<1x128xf32>
    %lt3A = arith.constant 7 : i32
    %lt3A_13 = arith.cmpi slt, %arg0, %lt3A : i32
    %convert_element_type3A = arith.extui %lt3A_13 : i1 to i32
    %cond3A = arith.constant 0 : i32
    %cond3A_14 = arith.cmpi ne, %convert_element_type3A, %cond3A : i32
    scf.if %cond3A_14 {
      %get3A_23 = arith.constant 0 : index
      %get3A_24 = arith.constant 0 : index
      %get3A_25 = arith.constant 0 : index
      %get3A_26 = arith.constant 0 : index
      %get3A_27 = vector.load %arg1[%get3A_23, %get3A_24, %get3A_25, %get3A_26] : memref<2x2x1280x64xf32, #tpu.memory_space<vmem>>, vector<1x1x1280x64xf32>
      %get3A_28 = vector.shape_cast %get3A_27 : vector<1x1x1280x64xf32> to vector<1280x64xf32>
      %get3A_29 = arith.constant 0 : index
      %get3A_30 = arith.constant 1 : index
      %get3A_31 = arith.constant 0 : index
      %get3A_32 = arith.constant 0 : index
      %get3A_33 = vector.load %arg1[%get3A_29, %get3A_30, %get3A_31, %get3A_32] : memref<2x2x1280x64xf32, #tpu.memory_space<vmem>>, vector<1x1x1280x64xf32>
      %get3A_34 = vector.shape_cast %get3A_33 : vector<1x1x1280x64xf32> to vector<1280x64xf32>
      %add3A_35 = arith.addf %get3A_28, %get3A_34 : vector<1280x64xf32>
      %get3A_36 = arith.constant 1 : index
      %get3A_37 = arith.constant 0 : index
      %get3A_38 = arith.constant 0 : index
      %get3A_39 = arith.constant 0 : index
      %get3A_40 = vector.load %arg1[%get3A_36, %get3A_37, %get3A_38, %get3A_39] : memref<2x2x1280x64xf32, #tpu.memory_space<vmem>>, vector<1x1x1280x64xf32>
      %get3A_41 = vector.shape_cast %get3A_40 : vector<1x1x1280x64xf32> to vector<1280x64xf32>
      %get3A_42 = arith.constant 1 : index
      %get3A_43 = arith.constant 1 : index
      %get3A_44 = arith.constant 0 : index
      %get3A_45 = arith.constant 0 : index
      %get3A_46 = vector.load %arg1[%get3A_42, %get3A_43, %get3A_44, %get3A_45] : memref<2x2x1280x64xf32, #tpu.memory_space<vmem>>, vector<1x1x1280x64xf32>
      %get3A_47 = vector.shape_cast %get3A_46 : vector<1x1x1280x64xf32> to vector<1280x64xf32>
      %add3A_48 = arith.addf %get3A_41, %get3A_47 : vector<1280x64xf32>
      %concatenate3A = tpu.concatenate %add3A_35, %add3A_48 in 1 : vector<1280x64xf32>, vector<1280x64xf32> -> vector<1280x128xf32>
      %mul3A = vector.broadcast %dot_general3A_9 : vector<1x128xf32> to vector<1280x128xf32>
      %mul3A_49 = arith.mulf %concatenate3A, %mul3A : vector<1280x128xf32>
      %add3A_50 = vector.broadcast %get3A_12 : vector<1x128xf32> to vector<1280x128xf32>
      %add3A_51 = arith.addf %mul3A_49, %add3A_50 : vector<1280x128xf32>
      %swap3A = arith.constant 0 : index
      %swap3A_52 = arith.constant 0 : index
      %swap3A_53 = vector.load %arg5[%swap3A, %swap3A_52] : memref<1280x128xf32, #tpu.memory_space<vmem>>, vector<1280x128xf32>
      tpu.vector_store %arg5[%swap3A, %swap3A_52], %add3A_51 {strides = array<i32>} : memref<1280x128xf32, #tpu.memory_space<vmem>>, vector<1280x128xf32>,
    } else {
    }
    %eq3A = arith.constant 7 : i32
    %eq3A_15 = arith.cmpi eq, %arg0, %eq3A : i32
    %convert_element_type3A_16 = arith.extui %eq3A_15 : i1 to i32
    %cond3A_17 = arith.constant 0 : i32
    %cond3A_18 = arith.cmpi ne, %convert_element_type3A_16, %cond3A_17 : i32
    scf.if %cond3A_18 {
      %get3A_23 = arith.constant 0 : index
      %get3A_24 = arith.constant 0 : index
      %get3A_25 = arith.constant 0 : index
      %get3A_26 = arith.constant 0 : index
      %get3A_27 = vector.load %arg1[%get3A_23, %get3A_24, %get3A_25, %get3A_26] : memref<2x2x1280x64xf32, #tpu.memory_space<vmem>>, vector<1x1x1280x64xf32>
      %get3A_28 = vector.shape_cast %get3A_27 : vector<1x1x1280x64xf32> to vector<1280x64xf32>
      %get3A_29 = arith.constant 0 : index
      %get3A_30 = arith.constant 1 : index
      %get3A_31 = arith.constant 0 : index
      %get3A_32 = arith.constant 0 : index
      %get3A_33 = vector.load %arg1[%get3A_29, %get3A_30, %get3A_31, %get3A_32] : memref<2x2x1280x64xf32, #tpu.memory_space<vmem>>, vector<1x1x1280x64xf32>
      %get3A_34 = vector.shape_cast %get3A_33 : vector<1x1x1280x64xf32> to vector<1280x64xf32>
      %add3A_35 = arith.addf %get3A_28, %get3A_34 : vector<1280x64xf32>
      %get3A_36 = arith.constant 1 : index
      %get3A_37 = arith.constant 0 : index
      %get3A_38 = arith.constant 0 : index
      %get3A_39 = arith.constant 0 : index
      %get3A_40 = vector.load %arg1[%get3A_36, %get3A_37, %get3A_38, %get3A_39] : memref<2x2x1280x64xf32, #tpu.memory_space<vmem>>, vector<1x1x1280x64xf32>
      %get3A_41 = vector.shape_cast %get3A_40 : vector<1x1x1280x64xf32> to vector<1280x64xf32>
      %get3A_42 = arith.constant 1 : index
      %get3A_43 = arith.constant 1 : index
      %get3A_44 = arith.constant 0 : index
      %get3A_45 = arith.constant 0 : index
      %get3A_46 = vector.load %arg1[%get3A_42, %get3A_43, %get3A_44, %get3A_45] : memref<2x2x1280x64xf32, #tpu.memory_space<vmem>>, vector<1x1x1280x64xf32>
      %get3A_47 = vector.shape_cast %get3A_46 : vector<1x1x1280x64xf32> to vector<1280x64xf32>
      %add3A_48 = arith.addf %get3A_41, %get3A_47 : vector<1280x64xf32>
      %concatenate3A = tpu.concatenate %add3A_35, %add3A_48 in 1 : vector<1280x64xf32>, vector<1280x64xf32> -> vector<1280x128xf32>
      %mul3A = arith.constant 1280 : i32
      %mul3A_49 = arith.muli %arg0, %mul3A : i32
      %iota3A = tpu.iota {dimensions = array<i32: 0>} : vector<1280x128xi32>
      %add3A_50 = vector.broadcast %mul3A_49 : i32 to vector<1280x128xi32>
      %add3A_51 = arith.addi %add3A_50, %iota3A : vector<1280x128xi32>
      %mul3A_52 = vector.broadcast %dot_general3A_9 : vector<1x128xf32> to vector<1280x128xf32>
      %mul3A_53 = arith.mulf %concatenate3A, %mul3A_52 : vector<1280x128xf32>
      %add3A_54 = vector.broadcast %get3A_12 : vector<1x128xf32> to vector<1280x128xf32>
      %add3A_55 = arith.addf %mul3A_53, %add3A_54 : vector<1280x128xf32>
      %broadcast_in_dim3A = vector.shape_cast %get3A_12 : vector<1x128xf32> to vector<1x128xf32>
      %broadcast_in_dim3A_56 = vector.broadcast %broadcast_in_dim3A : vector<1x128xf32> to vector<1280x128xf32>
      %lt3A_57 = arith.constant 10000 : i32
      %lt3A_58 = vector.broadcast %lt3A_57 : i32 to vector<1280x128xi32>
      %lt3A_59 = arith.cmpi slt, %add3A_51, %lt3A_58 : vector<1280x128xi32>
      %select_n3A = arith.select %lt3A_59, %add3A_55, %broadcast_in_dim3A_56 : vector<1280x128xi1>, vector<1280x128xf32>
      %swap3A = arith.constant 0 : index
      %swap3A_60 = arith.constant 0 : index
      %swap3A_61 = vector.load %arg5[%swap3A, %swap3A_60] : memref<1280x128xf32, #tpu.memory_space<vmem>>, vector<1280x128xf32>
      tpu.vector_store %arg5[%swap3A, %swap3A_60], %select_n3A {strides = array<i32>} : memref<1280x128xf32, #tpu.memory_space<vmem>>, vector<1280x128xf32>,
    } else {
    }
    %gt3A = arith.constant 7 : i32
    %gt3A_19 = arith.cmpi sgt, %arg0, %gt3A : i32
    %convert_element_type3A_20 = arith.extui %gt3A_19 : i1 to i32
    %cond3A_21 = arith.constant 0 : i32
    %cond3A_22 = arith.cmpi ne, %convert_element_type3A_20, %cond3A_21 : i32
    scf.if %cond3A_22 {
      %broadcast_in_dim3A = vector.shape_cast %get3A_12 : vector<1x128xf32> to vector<1x128xf32>
      %broadcast_in_dim3A_23 = vector.broadcast %broadcast_in_dim3A : vector<1x128xf32> to vector<1280x128xf32>
      %swap3A = arith.constant 0 : index
      %swap3A_24 = arith.constant 0 : index
      %swap3A_25 = vector.load %arg5[%swap3A, %swap3A_24] : memref<1280x128xf32, #tpu.memory_space<vmem>>, vector<1280x128xf32>
      tpu.vector_store %arg5[%swap3A, %swap3A_24], %broadcast_in_dim3A_23 {strides = array<i32>} : memref<1280x128xf32, #tpu.memory_space<vmem>>, vector<1280x128xf32>,
    } else {
    }
    return
  }
  func.func @transform_0(%arg0: i32) -> (i32, i32, i32, i32) {
    %min3A = arith.constant 7 : i32
    %min3A_0 = arith.minsi %arg0, %min3A : i32
    %c0_i32 = arith.constant 0 : i32
    %c0_i32_1 = arith.constant 0 : i32
    %c0_i32_2 = arith.constant 0 : i32
    %c0_i32_3 = arith.constant 0 : i32
    return %c0_i32, %c0_i32_1, %min3A_0, %c0_i32_2 : i32, i32, i32, i32
  }
  func.func @transform_1(%arg0: i32) -> (i32, i32) {
    %c0_i32 = arith.constant 0 : i32
    %c0_i32_0 = arith.constant 0 : i32
    %c0_i32_1 = arith.constant 0 : i32
    return %c0_i32, %c0_i32_0 : i32, i32
  }
  func.func @transform_2(%arg0: i32) -> (i32, i32) {
    %c0_i32 = arith.constant 0 : i32
    %c0_i32_0 = arith.constant 0 : i32
    %c0_i32_1 = arith.constant 0 : i32
    return %c0_i32, %c0_i32_0 : i32, i32
  }
  func.func @transform_3(%arg0: i32) -> (i32, i32) {
    %c0_i32 = arith.constant 0 : i32
    %c0_i32_0 = arith.constant 0 : i32
    %c0_i32_1 = arith.constant 0 : i32
    return %c0_i32, %c0_i32_0 : i32, i32
  }
  func.func @transform_4(%arg0: i32) -> (i32, i32) {
    %c0_i32 = arith.constant 0 : i32
    %c0_i32_0 = arith.constant 0 : i32
    return %arg0, %c0_i32 : i32, i32
  }
}

</mosaic_0001>

<sc_bundles>
// kernel: kernel.10.cloned.1.call-start
scs
__scs_entry_jumppad:
0x0: {  	(pc) =	sbr.rel $0x88, $3  }
0x1: {  	(tag) =	ssettag $0x0;
	lr =	simm.s32 $0x1  }
0x2: {  	[smem:$0x3F9C] =	sst lr;
	_ =	strace $0xD0000000  }
0x3: {  	_ = 	snop  }
0x4: {  	_ = 	snop  }
0x5: {  	_ = 	snop  }
0x6: {  	_ = 	snop  }
0x7: {  	_ = 	snop  }
__scs_overlays_trampoline_lowered:
0x8: {  	[smem:$0x3FAB] =	sst s0  }
0x9: {  	[smem:$0x3FAC] =	sst s1  }
0xa: {  	[smem:$0x3FAD] =	sst s2  }
0xb: {  	[smem:$0x3FAE] =	sst s3  }
0xc: {  	[smem:$0x3FAF] =	sst s4  }
0xd: {  	[smem:$0x3FB0] =	sst s5  }
0xe: {  	[smem:$0x3FB1] =	sst s6  }
0xf: {  	[smem:$0x3FB2] =	sst s7  }
0x10: {  	[smem:$0x3FB3] =	sst s8  }
0x11: {  	[smem:$0x3FB4] =	sst s9;
	s0 =	simm.s32 @!p0 $0x0  }
0x12: {  	s1 =	sld [smem:$0x3F9A];
	s0 =	simm.s32 @p0 $0x1  }
0x13: {  	[smem:$0x3FB5] =	sst s0;
	s0 =	simm.s32 @!p1 $0x0  }
0x14: {  	s2 =	sld [smem:$0x3F99];
	s0 =	simm.s32 @p1 $0x1  }
0x15: {  	[smem:$0x3FB6] =	sst s0;
	s0 =	simm.s32 @!p2 $0x0  }
0x16: {  	s3 =	sld [smem:$0x3FDB];
	s0 =	simm.s32 @p2 $0x1  }
0x17: {  	s4 =	simm.s32 $0x1BF5;
	[smem:$0x3FB8] =	sst s0  }
0x18: {  	s0 =	sld [smem:$0x3F9B];
	_ =	swait.ge [sflag:s4], $0x0  }
0x19: {  	s7 =	sld [smem:$0x3F9C]  }
0x1a: {  	s8 =	sadd.s32 $0xFFFFE003, lr  }
0x1b: {  	s9 =	sadd.s32 $0xFFFFFEF7, lr;
	s5 =	simm.s32 $0xFFFFFFFF;
	p2 =	slt.u32 s8, $0xFFFFF086  }
0x1c: {  	p1 =	slt.u32 s9, $0xF7A;
	s5 =	simm.s32 @!p2 $0x0  }
0x1d: {  	s5 =	simm.s32 @p1 $0x1;
	p0 =	seq.s32 s7, s2  }
0x1e: {  	s7 =	smul.u32 @!p0 $0xF7A, s2;
	p2 =	seq.s32 @!p0 s5, $0x0  }
0x1f: {  	s9 =	smul.u32 $0xF7A, s1;
	s8 =	simm.s32 @!p0 $0x1BF5;
	p2 =	por !p2, p0  }
0x20: {  	[sflag:s8] =	ssyncset.s32 @!p0 $0xFFFFF086;
	s6 =	sadd.s32 @!p0 s3, s7;
	s7 =	simm.s32 @!p0 $0x108  }
0x21: {  	s3 =	sadd.s32 s3, s9;
	s6 =	sadd.s32 @!p0 $0x88, s6;
	s7 =	simm.s32 @p2 $0x1082  }
0x22: {  	[simem:s7], [sflag:s8] =	dma.local @!p0 [hbm:s6], $0xF7A  }
0x23: {  	s9 =	sor.u32 $0xD0000000, s2;
	s6 =	simm.s32 $0x108;
	_ =	swait.ge @!p0 [sflag:s8], $0x0  }
0x24: {  	s3 =	sadd.s32 $0x88, s3;
	s6 =	simm.s32 @!p1 $0x1082;
	[sflag:s4] =	ssyncset.s32 $0xFFFFF086  }
0x25: {  	[simem:s6], [sflag:s4] =	dma.local [hbm:s3], $0xF7A  }
0x26: {  	[smem:$0x3F9C] =	sst s1;
	(tag) =	ssettag s2;
	_ =	strace s9  }
0x27: {  	s1 =	sld [smem:$0x3FAC]  }
0x28: {  	s2 =	sld [smem:$0x3FAD]  }
0x29: {  	s4 =	sld [smem:$0x3FAF]  }
0x2a: {  	p0 =	seq.s32 s5, $0x0;
	s5 =	sld [smem:$0x3FB0]  }
0x2b: {  	s6 =	sld [smem:$0x3FB1]  }
0x2c: {  	s7 =	sld [smem:$0x3FB2]  }
0x2d: {  	s3 =	simm.s32 $0x108;
	s8 =	sld [smem:$0x3FB3]  }
0x2e: {  	s3 =	simm.s32 @!p0 $0x1082;
	s9 =	sld [smem:$0x3FB4]  }
0x2f: {  	lr =	sadd.s32 s0, s3;
	s0 =	sld [smem:$0x3FAB]  }
0x30: {  	s3 =	sld [smem:$0x3FAE]  }
0x31: {  	[smem:$0x3FB7] =	sst s10  }
0x32: {  	s10 =	sld [smem:$0x3FB5];
	_ =	sdelay $0x3  }
0x33: {  	p0 =	seq.s32 s10, $0x1;
	s10 =	sld [smem:$0x3FB7];
	_ =	sdelay $0x3  }
0x34: {  	[smem:$0x3FB7] =	sst s10  }
0x35: {  	s10 =	sld [smem:$0x3FB6];
	_ =	sdelay $0x3  }
0x36: {  	p1 =	seq.s32 s10, $0x1;
	s10 =	sld [smem:$0x3FB7];
	_ =	sdelay $0x3  }
0x37: {  	[smem:$0x3FB7] =	sst s10  }
0x38: {  	s10 =	sld [smem:$0x3FB8]  }
0x39: {  	_ = 	snop;
	(pc) =	sbr.ind lr, $3  }
0x3a: {  	_ = 	snop  }
0x3b: {  	_ = 	snop  }
0x3c: {  	p2 =	seq.s32 s10, $0x1;
	s10 =	sld [smem:$0x3FB7]  }
0x3d: {  	_ =	shalt  }
0x3e: {  	_ =	shalt  }
0x3f: {  	_ =	shalt  }
0x40: {  	_ =	shalt  }
0x41: {  	_ =	shalt  }
0x42: {  	_ =	shalt  }
0x43: {  	_ =	shalt  }
0x44: {  	_ =	shalt  }
0x45: {  	_ =	shalt  }
0x46: {  	_ =	shalt  }
0x47: {  	_ =	shalt  }
0x48: {  	_ =	shalt  }
0x49: {  	_ =	shalt  }
0x4a: {  	_ =	shalt  }
0x4b: {  	_ =	shalt  }
0x4c: {  	_ =	shalt  }
0x4d: {  	_ =	shalt  }
0x4e: {  	_ =	shalt  }
0x4f: {  	_ =	shalt  }
0x50: {  	_ =	shalt  }
0x51: {  	_ =	shalt  }
0x52: {  	_ =	shalt  }
0x53: {  	_ =	shalt  }
0x54: {  	_ =	shalt  }
0x55: {  	_ =	shalt  }
0x56: {  	_ =	shalt  }
0x57: {  	_ =	shalt  }
0x58: {  	_ =	shalt  }
0x59: {  	_ =	shalt  }
0x5a: {  	_ =	shalt  }
0x5b: {  	_ =	shalt  }
0x5c: {  	_ =	shalt  }
0x5d: {  	_ =	shalt  }
0x5e: {  	_ =	shalt  }
0x5f: {  	_ =	shalt  }
0x60: {  	_ =	shalt  }
0x61: {  	_ =	shalt  }
0x62: {  	_ =	shalt  }
0x63: {  	_ =	shalt  }
0x64: {  	_ =	shalt  }
0x65: {  	_ =	shalt  }
0x66: {  	_ =	shalt  }
0x67: {  	_ =	shalt  }
0x68: {  	_ =	shalt  }
0x69: {  	_ =	shalt  }
0x6a: {  	_ =	shalt  }
0x6b: {  	_ =	shalt  }
0x6c: {  	_ =	shalt  }
0x6d: {  	_ =	shalt  }
0x6e: {  	_ =	shalt  }
0x6f: {  	_ =	shalt  }
0x70: {  	_ =	shalt  }
0x71: {  	_ =	shalt  }
0x72: {  	_ =	shalt  }
0x73: {  	_ =	shalt  }
0x74: {  	_ =	shalt  }
0x75: {  	_ =	shalt  }
0x76: {  	_ =	shalt  }
0x77: {  	_ =	shalt  }
0x78: {  	_ =	shalt  }
0x79: {  	_ =	shalt  }
0x7a: {  	_ =	shalt  }
0x7b: {  	_ =	shalt  }
0x7c: {  	_ =	shalt  }
0x7d: {  	_ =	shalt  }
0x7e: {  	_ =	shalt  }
0x7f: {  	_ =	shalt  }
0x80: {  	_ =	shalt  }
0x81: {  	_ =	shalt  }
0x82: {  	_ =	shalt  }
0x83: {  	_ =	shalt  }
0x84: {  	_ =	shalt  }
0x85: {  	_ =	shalt  }
0x86: {  	_ =	shalt  }
0x87: {  	_ =	shalt  }
.Lfunc_end0:
.L_simem_size_0:
called_computation.1_lowered:
.L_overlay_start_0:
0x88: {  	s2 =	sld [smem:$0x3FD9]  }
0x89: {  	s3 =	sld [smem:$0x3FFE];
	_ =	sdelay $0x1  }
0x8a: {  	s1 =	srdreg.scid  }
0x8b: {  	s0 =	sand.u32 $0x1, s1  }
0x8c: {  	s17 =	sshll.u32 s0, $0xA;
	s2 =	sadd.s32 s3, s2  }
0x8d: {  	s2 =	sadd.s32 s2, s17  }
0x8e: {  	[smem:$0x3FC3] =	sst s2  }
0x8f: {  	_ = 	snop  }
0x90: {  	s2 =	sld [smem:$0x3FD0];
	(tm) =	ssettm $0x1  }
0x91: {  	s18 =	sld [smem:$0x3FFB];
	_ =	sdelay $0x3  }
0x92: {  	_ =	strace s18  }
0x93: {  	s3 =	sld [smem:$0x3FFC];
	_ =	sdelay $0x3  }
0x94: {  	_ =	strace s3  }
0x95: {  	s3 =	sld [smem:$0x3FFD];
	_ =	sdelay $0x3  }
0x96: {  	_ =	strace s3  }
0x97: {  	_ =	strace $0x8FFFFFFF  }
0x98: {  	s19 =	sld [smem:$0x3FDB];
	_ =	sdelay $0x1  }
0x99: {  	s4 =	simm.s32 $_scs_section_size  }
0x9a: {  	s5 =	simm.s32 $_size__tile_overlayer_lowered;
	s6 =	simm.s32 $_tile_overlayer_lowered  }
0x9b: {  	s22 =	simm.s32 $0x1BFF;
	s21 =	sshll.u32 s6, $0x1;
	s3 =	sadd.s32 s4, s19  }
0x9c: {  	s7 =	simm.s32 $0x0;
	s20 =	sshll.u32 s5, $0x1;
	s5 =	sadd.s32 s21, s3  }
0x9d: {  	[timem:s7], [sflag:s22] =	dma.local [hbm:s5], s20  }
0x9e: {  	_ =	swait.ge [sflag:s22], s20  }
0x9f: {  	s4 =	ssub.s32 $0x0, s20;
	[sflag:s22] =	ssyncset.done $0x0  }
0xa0: {  	[sflag:s22] =	ssyncadd.s32 s4;
	_ =	sdelay $0x1  }
0xa1: {  	s23 =	simm.s32 $0x1B8B  }
0xa2: {  	_ =	swait.ge [sflag:s23], $0x1  }
0xa3: {  	[sflag:s23] =	ssyncset.done $0x0  }
0xa4: {  	s25 =	simm.s32 $0x1B8E;
	s24 =	sld [smem:$0x3FFE];
	[sflag:s23] =	ssyncadd.s32 $0xFFFFFFFF  }
0xa5: {  	s26 =	simm.s32 $execute0_lowered;
	[smem:$0x3FD2] =	sst s25  }
0xa6: {  	s5 =	sshll.u32 s26, $0x1;
	_ =	strace $0x80000049;
	[dreg:$0x1] =	wrdreg $0xFFFFFFFF  }
0xa7: {  	s28 =	simm.s32 $_size_execute0_lowered;
	s3 =	sadd.s32 s3, s5;
	[dreg:$0x0] =	wrdreg $0x0  }
0xa8: {  	s5 =	sshll.u32 s28, $0x1;
	[dreg:$0x2] =	wrdreg s3  }
0xa9: {  	[dreg:$0x3] =	wrdreg s5  }
0xaa: {  	[dreg:$0x4] =	wrdreg $0xC0  }
0xab: {  	_ =	task [dreg:s7], $0x5FFFF  }
0xac: {  	[dreg:$0x1] =	wrdreg $0xFFFFFFFF  }
0xad: {  	[dreg:$0x0] =	wrdreg $0x60  }
0xae: {  	[dreg:$0x2] =	wrdreg s24  }
0xaf: {  	[dreg:$0x3] =	wrdreg s2  }
0xb0: {  	[dreg:$0x4] =	wrdreg $0x70000  }
0xb1: {  	[dreg:$0x5] =	wrdreg $0x110000  }
0xb2: {  	[dreg:$0x6] =	wrdreg $0x9  }
0xb3: {  	_ =	task.clear_ibuf [dreg:s7], $0x7FFFF;
	_ =	strace $0x90000049  }
0xb4: {  	s29 =	simm.s32 $0x9;
	_ =	strace $0x8000004B  }
0xb5: {  	_ =	swait.ge [sflag:s29], $0x1  }
0xb6: {  	[sflag:s29] =	ssyncadd.s32 $0xFFFFFFFF  }
0xb7: {  	_ =	strace $0x9000004B  }
0xb8: {  	_ =	sfence  }
0xb9: {  	s30 =	sld [smem:$0x0];
	_ =	sdelay $0x2  }
0xba: {  	s31 =	sshll.u32 s1, $0xD;
	s1 =	sshrl.u32 s1, $0x2  }
0xbb: {  	s3 =	sand.u32 $0x4000, s31;
	s1 =	sadd.s32 s1, s30  }
0xbc: {  	s0 =	sor.u32 s3, s0;
	s1 =	sshll.u32 s1, $0x11  }
0xbd: {  	s0 =	sor.u32 s1, s0  }
0xbe: {  	s0 =	sadd.s32 $0x8F2B, s0  }
0xbf: {  	[sflag:s0] =	ssyncadd.remote.s32 $0x1  }
0xc0: {  	_ =	sfence.sel $0xFFFF  }
0xc1: {  	[dreg:$0x0] =	wrdreg $0xFFFFFFFF;
	(pc) =	sbr.abs _section_cstart, $3  }
0xc2: {  	[dreg:$0x1] =	wrdreg $0xFFFFFFFF  }
0xc3: {  	_ =	task.clear_ibuf [dreg:s7], $0x2FFFF;
	_ =	strace $0x9FFFFFFF  }
0xc4: {  	(tm) =	ssettm $0x7FFFFFFF  }
0xc5: {  	_ =	shalt  }
tec
execute0_lowered:
.L_overlay_start_1:
0x0: {  	(tag) =	ssettag $0x1  }
0x1: {  	s0 =	rddreg [dreg:$0x0]  }
0x2: {  	s1 =	rddreg [dreg:$0x1];
	s3 =	srdreg.scid  }
0x3: {  	s9 =	stileid.u32;
	s2 =	rddreg [dreg:$0x2]  }
0x4: {  	s6 =	simm.s32 $0x0;
	s4 =	sand.u32 $0x1, s3;
	s3 =	rddreg [dreg:$0x3]  }
0x5: {  	s5 =	sshll.u32 s9, $0x1;
	[smem:$0x7FF] =	sst s6;
	s24 =	smul.u32 $0xA000, s9  }
0x6: {  	s9 =	smul.u32 $0x28000, s9;
	s5 =	sor.u32 s4, s5;
	_ =	strace $0x8000004A  }
0x7: {  	s8 =	ssub.s32 $0x2, s4;
	s5 =	smul.u32 $0x280, s5;
	s7 =	sshrl.u32 s24, $0x3  }
0x8: {  	s25 =	sshrl.u32 s8, $0x1;
	s10 =	sshrl.u32 s9, $0x2;
	s12 =	sadd.s32 s24, s3  }
0x9: {  	s9 =	sadd.s32 s10, s3;
	[dreg:$0xa] =	wrdreg s12;
	s5 =	sadd.s32 s5, s0  }
0xa: {  	s0 =	sadd.s32 s7, s0;
	s7 =	ssub.s32 s8, s25;
	s8 =	sadd.s32 s24, s2  }
0xb: {  	s15 =	sadd.s32 $0x800, s9;
	[dreg:$0x7] =	wrdreg s8  }
0xc: {  	s16 =	sadd.s32 $0x1000, s9;
	[dreg:$0xe] =	wrdreg s15  }
0xd: {  	s17 =	sadd.s32 $0x1800, s9;
	[dreg:$0xf] =	wrdreg s16  }
0xe: {  	s18 =	sadd.s32 $0x2000, s9;
	[dreg:$0x10] =	wrdreg s17  }
0xf: {  	s4 =	smul.u32 $0xA0000, s4;
	s19 =	sadd.s32 $0x2800, s9;
	[dreg:$0x11] =	wrdreg s18  }
0x10: {  	s6 =	simm.s32 $0x5;
	s20 =	sadd.s32 $0x3000, s9;
	[dreg:$0x12] =	wrdreg s19  }
0x11: {  	s4 =	sadd.s32 s24, s4;
	s21 =	sadd.s32 $0x3800, s9;
	[dreg:$0x13] =	wrdreg s20  }
0x12: {  	s10 =	simm.s32 $0x80;
	s22 =	sadd.s32 $0x4000, s9;
	[dreg:$0x14] =	wrdreg s21  }
0x13: {  	s12 =	simm.s32 $0x4;
	s23 =	sadd.s32 $0x4800, s9;
	[dreg:$0x15] =	wrdreg s22  }
0x14: {  	s4 =	sshrl.u32 s4, $0x3;
	s24 =	sadd.s32 $0x5000, s9;
	[dreg:$0x16] =	wrdreg s23  }
0x15: {  	s25 =	sadd.s32 $0x5800, s9;
	s28 =	sadd.s32 $0x6800, s9;
	[dreg:$0x17] =	wrdreg s24  }
0x16: {  	s29 =	sadd.s32 $0x7000, s9;
	s26 =	sadd.s32 $0x10200, s5;
	[dreg:$0x18] =	wrdreg s25  }
0x17: {  	s30 =	sadd.s32 $0x7800, s9;
	s5 =	sadd.s32 $0xB200, s5;
	[dreg:$0x5] =	wrdreg s26  }
0x18: {  	s31 =	sadd.s32 $0x8000, s9;
	s11 =	sadd.s32 $0x15200, s0;
	[dreg:$0x6] =	wrdreg s5  }
0x19: {  	s1 =	sadd.s32 s1, s4;
	s0 =	sadd.s32 $0x29200, s0;
	[dreg:$0x8] =	wrdreg s11  }
0x1a: {  	s14 =	smax.u32 s7, $0x1;
	s8 =	simm.s32 $0x6800;
	[dreg:$0xb] =	wrdreg s0  }
0x1b: {  	s7 =	simm.s32 $0x0;
	s25 =	simm.s32 $0x0;
	[dreg:$0x9] =	wrdreg s1  }
0x1c: {  	s13 =	sadd.s32 $0x28000, s1;
	[dreg:$0xd] =	wrdreg s14;
	s26 =	sadd.s32 $0x6000, s9  }
0x1d: {  	s1 =	sadd.s32 $0x8800, s9;
	s0 =	sadd.s32 $0x9000, s9;
	s5 =	sadd.s32 $0x9800, s9  }
0x1e: {  	s11 =	simm.s32 $0x2800;
	s14 =	simm.s32 $0x1;
	[dreg:$0xc] =	wrdreg s13  }
0x1f: {  	v0 =	vimm.f32 $0.0e+00;
	[dreg:$0x19] =	wrdreg s26;
	s13 =	simm.s32 $0x4800;
	s26 =	simm.s32 $0x1400  }
.LBB2_1:
0x20: {  	s4 =	simm.s32 $0x6840  }
0x21: {  	[tilespmem:s4+$0xFFFFFFC0] =	vst v0  }
0x22: {  	[tilespmem:s4+$0x30] =	vst v0  }
0x23: {  	[tilespmem:s4+$0x20] =	vst v0  }
0x24: {  	[tilespmem:s4+$0x10] =	vst v0  }
0x25: {  	[tilespmem:s4+$0x0] =	vst v0  }
0x26: {  	[tilespmem:s4+$0xFFFFFFF0] =	vst v0  }
0x27: {  	s15 =	simm.s32 $0x0;
	[tilespmem:s4+$0xFFFFFFE0] =	vst v0  }
.LBB2_2:
0x28: {  	s15 =	sadd.s32 $0x8, s15;
	[tilespmem:s4+$0xFFFFFFD0] =	vst v0;
	s4 =	sadd.s32 $0x80, s4  }
0x29: {  	[tilespmem:s4+$0xFFFFFFC0] =	vst v0;
	p0 =	slt.u32 s15, $0x78  }
0x2a: {  	[tilespmem:s4+$0x30] =	vst v0  }
.Ltmp0:
0x2b: {  	[tilespmem:s4+$0x20] =	vst v0;
	(pc) =	sbr.rel @p0 .LBB2_2-.Ltmp0, $4  }
0x2c: {  	[tilespmem:s4+$0x10] =	vst v0  }
0x2d: {  	[tilespmem:s4+$0x0] =	vst v0  }
0x2e: {  	[tilespmem:s4+$0xFFFFFFF0] =	vst v0  }
0x2f: {  	[tilespmem:s4+$0xFFFFFFE0] =	vst v0  }
0x30: {  	[tilespmem:s4+$0xFFFFFFD0] =	vst v0  }
0x31: {  	s17 =	simm.s32 $0x0;
	s4 =	rddreg [dreg:$0x5]  }
0x32: {  	[tilespmem:s17], [sflag:$0x5] =	stream.linear.gather [hbm4b:s4+s17], $0x1400, $0x38;
	[tilespmem:$0x1B000] =	vst v63  }
0x33: {  	_ =	swait.ge [sflag:s6], $0x1400  }
0x34: {  	s18 =	simm.s32 $0x1400;
	[sflag:s6] =	ssyncset.done $0x0  }
0x35: {  	s19 =	stileid.u32;
	s16 =	rddreg [dreg:$0x6];
	[sflag:s6] =	ssyncadd.s32 $0xFFFFEC00  }
0x36: {  	[tilespmem:s18], [sflag:$0x5] =	stream.linear.gather [hbm4b:s16+s17], $0x1400, $0x38;
	[tilespmem:$0x1B000] =	vst v63  }
0x37: {  	s4 =	sshll.u32 s19, $0x6;
	_ =	swait.ge [sflag:s6], $0x1400  }
0x38: {  	s4 =	sor.u32 $0x1C05, s4;
	[sflag:s6] =	ssyncset.done $0x0;
	s15 =	rddreg [dreg:$0x7]  }
0x39: {  	s16 =	rddreg [dreg:$0x8];
	[sflag:s6] =	ssyncadd.s32 $0xFFFFEC00;
	s15 =	sshrl.u32 s15, $0x3  }
0x3a: {  	[spmem:s15], [sflag:s4] =	dma.local [hbm:s16], $0x1400  }
0x3b: {  	_ =	swait.ge [sflag:s6], $0x1400  }
0x3c: {  	[sflag:s6] =	ssyncset.done $0x0  }
0x3d: {  	[sflag:s6] =	ssyncadd.s32 $0xFFFFEC00  }
0x3e: {  	[spmem:s9] =	stream.linear.scatter [tilespmem:s8], [sflag:$0x5], $0x800, $0x38;
	[tilespmem:$0x1B000] =	vst v63  }
0x3f: {  	_ =	swait.ge [sflag:s6], $0x800  }
0x40: {  	[sflag:s6] =	ssyncset.done $0x0  }
0x41: {  	s20 =	rddreg [dreg:$0xe];
	[sflag:s6] =	ssyncadd.s32 $0xFFFFF800  }
0x42: {  	[spmem:s20] =	stream.linear.scatter [tilespmem:s8], [sflag:$0x5], $0x800, $0x38;
	[tilespmem:$0x1B000] =	vst v63  }
0x43: {  	_ =	swait.ge [sflag:s6], $0x800  }
0x44: {  	[sflag:s6] =	ssyncset.done $0x0  }
0x45: {  	s21 =	rddreg [dreg:$0xf];
	[sflag:s6] =	ssyncadd.s32 $0xFFFFF800  }
0x46: {  	[spmem:s21] =	stream.linear.scatter [tilespmem:s8], [sflag:$0x5], $0x800, $0x38;
	[tilespmem:$0x1B000] =	vst v63  }
0x47: {  	_ =	swait.ge [sflag:s6], $0x800  }
0x48: {  	[sflag:s6] =	ssyncset.done $0x0  }
0x49: {  	s22 =	rddreg [dreg:$0x10];
	[sflag:s6] =	ssyncadd.s32 $0xFFFFF800  }
0x4a: {  	[spmem:s22] =	stream.linear.scatter [tilespmem:s8], [sflag:$0x5], $0x800, $0x38;
	[tilespmem:$0x1B000] =	vst v63  }
0x4b: {  	_ =	swait.ge [sflag:s6], $0x800  }
0x4c: {  	[sflag:s6] =	ssyncset.done $0x0  }
0x4d: {  	s23 =	rddreg [dreg:$0x11];
	[sflag:s6] =	ssyncadd.s32 $0xFFFFF800  }
0x4e: {  	[spmem:s23] =	stream.linear.scatter [tilespmem:s8], [sflag:$0x5], $0x800, $0x38;
	[tilespmem:$0x1B000] =	vst v63  }
0x4f: {  	_ =	swait.ge [sflag:s6], $0x800  }
0x50: {  	[sflag:s6] =	ssyncset.done $0x0  }
0x51: {  	s24 =	rddreg [dreg:$0x12];
	[sflag:s6] =	ssyncadd.s32 $0xFFFFF800  }
0x52: {  	[spmem:s24] =	stream.linear.scatter [tilespmem:s8], [sflag:$0x5], $0x800, $0x38;
	[tilespmem:$0x1B000] =	vst v63  }
0x53: {  	_ =	swait.ge [sflag:s6], $0x800  }
0x54: {  	[sflag:s6] =	ssyncset.done $0x0  }
0x55: {  	s19 =	rddreg [dreg:$0x13];
	[sflag:s6] =	ssyncadd.s32 $0xFFFFF800  }
0x56: {  	[spmem:s19] =	stream.linear.scatter [tilespmem:s8], [sflag:$0x5], $0x800, $0x38;
	[tilespmem:$0x1B000] =	vst v63  }
0x57: {  	_ =	swait.ge [sflag:s6], $0x800  }
0x58: {  	[sflag:s6] =	ssyncset.done $0x0  }
0x59: {  	s20 =	rddreg [dreg:$0x14];
	[sflag:s6] =	ssyncadd.s32 $0xFFFFF800  }
0x5a: {  	[spmem:s20] =	stream.linear.scatter [tilespmem:s8], [sflag:$0x5], $0x800, $0x38;
	[tilespmem:$0x1B000] =	vst v63  }
0x5b: {  	_ =	swait.ge [sflag:s6], $0x800  }
0x5c: {  	[sflag:s6] =	ssyncset.done $0x0  }
0x5d: {  	s21 =	rddreg [dreg:$0x15];
	[sflag:s6] =	ssyncadd.s32 $0xFFFFF800  }
0x5e: {  	[spmem:s21] =	stream.linear.scatter [tilespmem:s8], [sflag:$0x5], $0x800, $0x38;
	[tilespmem:$0x1B000] =	vst v63  }
0x5f: {  	_ =	swait.ge [sflag:s6], $0x800  }
0x60: {  	[sflag:s6] =	ssyncset.done $0x0  }
0x61: {  	s22 =	rddreg [dreg:$0x16];
	[sflag:s6] =	ssyncadd.s32 $0xFFFFF800  }
0x62: {  	[spmem:s22] =	stream.linear.scatter [tilespmem:s8], [sflag:$0x5], $0x800, $0x38;
	[tilespmem:$0x1B000] =	vst v63  }
0x63: {  	_ =	swait.ge [sflag:s6], $0x800  }
0x64: {  	[sflag:s6] =	ssyncset.done $0x0  }
0x65: {  	s23 =	rddreg [dreg:$0x17];
	[sflag:s6] =	ssyncadd.s32 $0xFFFFF800  }
0x66: {  	[spmem:s23] =	stream.linear.scatter [tilespmem:s8], [sflag:$0x5], $0x800, $0x38;
	[tilespmem:$0x1B000] =	vst v63  }
0x67: {  	_ =	swait.ge [sflag:s6], $0x800  }
0x68: {  	[sflag:s6] =	ssyncset.done $0x0  }
0x69: {  	s24 =	rddreg [dreg:$0x18];
	[sflag:s6] =	ssyncadd.s32 $0xFFFFF800  }
0x6a: {  	[spmem:s24] =	stream.linear.scatter [tilespmem:s8], [sflag:$0x5], $0x800, $0x38;
	[tilespmem:$0x1B000] =	vst v63  }
0x6b: {  	_ =	swait.ge [sflag:s6], $0x800  }
0x6c: {  	[sflag:s6] =	ssyncset.done $0x0  }
0x6d: {  	s19 =	rddreg [dreg:$0x19];
	[sflag:s6] =	ssyncadd.s32 $0xFFFFF800  }
0x6e: {  	[spmem:s19] =	stream.linear.scatter [tilespmem:s8], [sflag:$0x5], $0x800, $0x38;
	[tilespmem:$0x1B000] =	vst v63  }
0x6f: {  	_ =	swait.ge [sflag:s6], $0x800  }
0x70: {  	[sflag:s6] =	ssyncset.done $0x0  }
0x71: {  	[sflag:s6] =	ssyncadd.s32 $0xFFFFF800  }
0x72: {  	[spmem:s28] =	stream.linear.scatter [tilespmem:s8], [sflag:$0x5], $0x800, $0x38;
	[tilespmem:$0x1B000] =	vst v63  }
0x73: {  	_ =	swait.ge [sflag:s6], $0x800  }
0x74: {  	[sflag:s6] =	ssyncset.done $0x0  }
0x75: {  	[sflag:s6] =	ssyncadd.s32 $0xFFFFF800  }
0x76: {  	[spmem:s29] =	stream.linear.scatter [tilespmem:s8], [sflag:$0x5], $0x800, $0x38;
	[tilespmem:$0x1B000] =	vst v63  }
0x77: {  	_ =	swait.ge [sflag:s6], $0x800  }
0x78: {  	[sflag:s6] =	ssyncset.done $0x0  }
0x79: {  	[sflag:s6] =	ssyncadd.s32 $0xFFFFF800  }
0x7a: {  	[spmem:s30] =	stream.linear.scatter [tilespmem:s8], [sflag:$0x5], $0x800, $0x38;
	[tilespmem:$0x1B000] =	vst v63  }
0x7b: {  	_ =	swait.ge [sflag:s6], $0x800  }
0x7c: {  	[sflag:s6] =	ssyncset.done $0x0  }
0x7d: {  	[sflag:s6] =	ssyncadd.s32 $0xFFFFF800  }
0x7e: {  	[spmem:s31] =	stream.linear.scatter [tilespmem:s8], [sflag:$0x5], $0x800, $0x38;
	[tilespmem:$0x1B000] =	vst v63  }
0x7f: {  	_ =	swait.ge [sflag:s6], $0x800  }
0x80: {  	[sflag:s6] =	ssyncset.done $0x0  }
0x81: {  	[sflag:s6] =	ssyncadd.s32 $0xFFFFF800  }
0x82: {  	[spmem:s1] =	stream.linear.scatter [tilespmem:s8], [sflag:$0x5], $0x800, $0x38;
	[tilespmem:$0x1B000] =	vst v63  }
0x83: {  	_ =	swait.ge [sflag:s6], $0x800  }
0x84: {  	[sflag:s6] =	ssyncset.done $0x0  }
0x85: {  	[sflag:s6] =	ssyncadd.s32 $0xFFFFF800  }
0x86: {  	[spmem:s0] =	stream.linear.scatter [tilespmem:s8], [sflag:$0x5], $0x800, $0x38;
	[tilespmem:$0x1B000] =	vst v63  }
0x87: {  	_ =	swait.ge [sflag:s6], $0x800  }
0x88: {  	[sflag:s6] =	ssyncset.done $0x0  }
0x89: {  	[sflag:s6] =	ssyncadd.s32 $0xFFFFF800  }
0x8a: {  	[spmem:s5] =	stream.linear.scatter [tilespmem:s8], [sflag:$0x5], $0x800, $0x38;
	[tilespmem:$0x1B000] =	vst v63  }
0x8b: {  	_ =	swait.ge [sflag:s6], $0x800  }
0x8c: {  	[sflag:s6] =	ssyncset.done $0x0  }
0x8d: {  	[sflag:s6] =	ssyncadd.s32 $0xFFFFF800  }
0x8e: {  	s16 =	simm.s32 $0x80;
	[bflag:$0x0] =	sbarrier.arrive $0xFFFF  }
0x8f: {  	[tilespmem:s11], [sflag:$0x1] =	stream.indirect.gather [spmem:s2], $0x40, s18, s16, $0xb8;
	[tilespmem:$0x1B000] =	vst v63  }
0x90: {  	s20 =	simm.s32 $0x1480  }
0x91: {  	[tilespmem:s13], [sflag:$0x2] =	stream.indirect.gather [spmem:s2], $0x40, s20, s16, $0xb8;
	[tilespmem:$0x1B000] =	vst v63  }
0x92: {  	s21 =	simm.s32 $0x2;
	_ =	swait.ge [sflag:s14], $0x2000  }
0x93: {  	s22 =	sand.u32 $0x1, s21;
	s21 =	simm.s32 $0x1;
	[sflag:s14] =	ssyncset.done $0x0  }
0x94: {  	s19 =	sadd.s32 $0x3, s22;
	s18 =	sadd.s32 $0x1, s22;
	[sflag:s14] =	ssyncadd.s32 $0xFFFFE000  }
0x95: {  	[spmem:s3] =	stream.indirect.scatter.add.f32 [tilespmem:s11], [sflag:$0x3], $0x40, s17, s16, $0xb8;
	[tilespmem:$0x1B000] =	vst v63  }
0x96: {  	s20 =	sshll.u32 s22, $0xD;
	s22 =	sand.u32 $0x1, s21;
	_ =	swait.ge [sflag:s19], $0x2000  }
0x97: {  	s23 =	sadd.s32 $0x2800, s20;
	s24 =	sshll.u32 s22, $0xD;
	[sflag:s19] =	ssyncset.done $0x0  }
0x98: {  	s20 =	sadd.s32 $0x1, s22;
	s17 =	simm.s32 $0x1500;
	[sflag:s19] =	ssyncadd.s32 $0xFFFFE000  }
0x99: {  	[tilespmem:s23], [sflag:s18] =	stream.indirect.gather [spmem:s2], $0x40, s17, s10, $0xb8;
	[tilespmem:$0x1B000] =	vst v63  }
0x9a: {  	s22 =	sadd.s32 $0x3, s22;
	s21 =	sadd.s32 $0x2800, s24;
	_ =	swait.ge [sflag:s20], $0x2000  }
0x9b: {  	s19 =	simm.s32 $0x80;
	s18 =	simm.s32 $0x3;
	[sflag:s20] =	ssyncset.done $0x0  }
.LBB2_4:
0x9c: {  	[sflag:s20] =	ssyncadd.s32 $0xFFFFE000  }
0x9d: {  	s16 =	sadd.s32 $0x80, s16;
	s17 =	sadd.s32 $0x80, s17;
	s20 =	smov.u32 s18  }
0x9e: {  	[spmem:s3] =	stream.indirect.scatter.add.f32 [tilespmem:s21], [sflag:s22], $0x40, s19, s10, $0xb8;
	[tilespmem:$0x1B000] =	vst v63  }
0x9f: {  	p0 =	sne.s32 s18, $0x27;
	s18 =	sadd.s32 $0x1, s18;
	s21 =	sand.u32 $0x1, s20  }
0xa0: {  	s19 =	smov.u32 s16;
	s22 =	sadd.s32 $0x3, s21;
	s23 =	sshll.u32 s21, $0xD  }
0xa1: {  	s20 =	sadd.s32 $0xFFFFFFFF, s20;
	_ =	swait.ge [sflag:s22], $0x2000  }
0xa2: {  	s21 =	sadd.s32 $0x1, s21;
	s24 =	sand.u32 $0x1, s20;
	[sflag:s22] =	ssyncset.done $0x0  }
.Ltmp1:
0xa3: {  	s20 =	sadd.s32 $0x2800, s23;
	[sflag:s22] =	ssyncadd.s32 $0xFFFFE000;
	(pc) =	sbr.rel @p0 .LBB2_4-.Ltmp1, $4  }
0xa4: {  	[tilespmem:s20], [sflag:s21] =	stream.indirect.gather [spmem:s2], $0x40, s17, s10, $0xb8;
	[tilespmem:$0x1B000] =	vst v63  }
0xa5: {  	s21 =	sshll.u32 s24, $0xD;
	s20 =	sadd.s32 $0x1, s24  }
0xa6: {  	_ =	swait.ge [sflag:s20], $0x2000  }
0xa7: {  	s22 =	sadd.s32 $0x3, s24;
	s21 =	sadd.s32 $0x2800, s21;
	[sflag:s20] =	ssyncset.done $0x0  }
0xa8: {  	[sflag:s20] =	ssyncadd.s32 $0xFFFFE000  }
0xa9: {  	[spmem:s3] =	stream.indirect.scatter.add.f32 [tilespmem:s21], [sflag:s22], $0x40, s19, s10, $0xb8;
	[tilespmem:$0x1B000] =	vst v63  }
0xaa: {  	_ =	swait.ge [sflag:s22], $0x2000  }
0xab: {  	[sflag:s22] =	ssyncset.done $0x0  }
0xac: {  	s18 =	simm.s32 $0x2;
	[sflag:s22] =	ssyncadd.s32 $0xFFFFE000  }
0xad: {  	_ =	swait.ge [sflag:s18], $0x2000  }
0xae: {  	[sflag:s18] =	ssyncset.done $0x0  }
0xaf: {  	s17 =	simm.s32 $0x80;
	s16 =	simm.s32 $0x1380;
	[sflag:s18] =	ssyncadd.s32 $0xFFFFE000  }
0xb0: {  	[spmem:s3] =	stream.indirect.scatter.add.f32 [tilespmem:s13], [sflag:$0x4], $0x40, s16, s17, $0xb8;
	[tilespmem:$0x1B000] =	vst v63  }
0xb1: {  	_ =	swait.ge [sflag:s12], $0x2000  }
0xb2: {  	[sflag:s12] =	ssyncset.done $0x0  }
0xb3: {  	[sflag:s12] =	ssyncadd.s32 $0xFFFFE000  }
0xb4: {  	[bflag:$0x0] =	sbarrier.arrive $0xFFFF  }
0xb5: {  	s19 =	rddreg [dreg:$0xa]  }
0xb6: {  	s20 =	rddreg [dreg:$0x9];
	s16 =	sshrl.u32 s19, $0x3  }
0xb7: {  	[hbm:s20], [sflag:s4] =	dma.local [spmem:s16], $0x1400  }
0xb8: {  	_ =	swait.ge [sflag:s6], $0x1400  }
0xb9: {  	[sflag:s6] =	ssyncset.done $0x0  }
0xba: {  	[sflag:s6] =	ssyncadd.s32 $0xFFFFEC00  }
0xbb: {  	[bflag:$0x0] =	sbarrier.arrive $0xFFFF  }
0xbc: {  	s21 =	rddreg [dreg:$0xb]  }
0xbd: {  	[spmem:s15], [sflag:s4] =	dma.local [hbm:s21], $0x1400  }
0xbe: {  	_ =	swait.ge [sflag:s6], $0x1400  }
0xbf: {  	[sflag:s6] =	ssyncset.done $0x0  }
0xc0: {  	[sflag:s6] =	ssyncadd.s32 $0xFFFFEC00  }
0xc1: {  	[spmem:s9] =	stream.linear.scatter [tilespmem:s8], [sflag:$0x5], $0x800, $0x38;
	[tilespmem:$0x1B000] =	vst v63  }
0xc2: {  	_ =	swait.ge [sflag:s6], $0x800  }
0xc3: {  	[sflag:s6] =	ssyncset.done $0x0  }
0xc4: {  	s22 =	rddreg [dreg:$0xe];
	[sflag:s6] =	ssyncadd.s32 $0xFFFFF800  }
0xc5: {  	[spmem:s22] =	stream.linear.scatter [tilespmem:s8], [sflag:$0x5], $0x800, $0x38;
	[tilespmem:$0x1B000] =	vst v63  }
0xc6: {  	_ =	swait.ge [sflag:s6], $0x800  }
0xc7: {  	[sflag:s6] =	ssyncset.done $0x0  }
0xc8: {  	s23 =	rddreg [dreg:$0xf];
	[sflag:s6] =	ssyncadd.s32 $0xFFFFF800  }
0xc9: {  	[spmem:s23] =	stream.linear.scatter [tilespmem:s8], [sflag:$0x5], $0x800, $0x38;
	[tilespmem:$0x1B000] =	vst v63  }
0xca: {  	_ =	swait.ge [sflag:s6], $0x800  }
0xcb: {  	[sflag:s6] =	ssyncset.done $0x0  }
0xcc: {  	s24 =	rddreg [dreg:$0x10];
	[sflag:s6] =	ssyncadd.s32 $0xFFFFF800  }
0xcd: {  	[spmem:s24] =	stream.linear.scatter [tilespmem:s8], [sflag:$0x5], $0x800, $0x38;
	[tilespmem:$0x1B000] =	vst v63  }
0xce: {  	_ =	swait.ge [sflag:s6], $0x800  }
0xcf: {  	[sflag:s6] =	ssyncset.done $0x0  }
0xd0: {  	s19 =	rddreg [dreg:$0x11];
	[sflag:s6] =	ssyncadd.s32 $0xFFFFF800  }
0xd1: {  	[spmem:s19] =	stream.linear.scatter [tilespmem:s8], [sflag:$0x5], $0x800, $0x38;
	[tilespmem:$0x1B000] =	vst v63  }
0xd2: {  	_ =	swait.ge [sflag:s6], $0x800  }
0xd3: {  	[sflag:s6] =	ssyncset.done $0x0  }
0xd4: {  	s20 =	rddreg [dreg:$0x12];
	[sflag:s6] =	ssyncadd.s32 $0xFFFFF800  }
0xd5: {  	[spmem:s20] =	stream.linear.scatter [tilespmem:s8], [sflag:$0x5], $0x800, $0x38;
	[tilespmem:$0x1B000] =	vst v63  }
0xd6: {  	_ =	swait.ge [sflag:s6], $0x800  }
0xd7: {  	[sflag:s6] =	ssyncset.done $0x0  }
0xd8: {  	s21 =	rddreg [dreg:$0x13];
	[sflag:s6] =	ssyncadd.s32 $0xFFFFF800  }
0xd9: {  	[spmem:s21] =	stream.linear.scatter [tilespmem:s8], [sflag:$0x5], $0x800, $0x38;
	[tilespmem:$0x1B000] =	vst v63  }
0xda: {  	_ =	swait.ge [sflag:s6], $0x800  }
0xdb: {  	[sflag:s6] =	ssyncset.done $0x0  }
0xdc: {  	s22 =	rddreg [dreg:$0x14];
	[sflag:s6] =	ssyncadd.s32 $0xFFFFF800  }
0xdd: {  	[spmem:s22] =	stream.linear.scatter [tilespmem:s8], [sflag:$0x5], $0x800, $0x38;
	[tilespmem:$0x1B000] =	vst v63  }
0xde: {  	_ =	swait.ge [sflag:s6], $0x800  }
0xdf: {  	[sflag:s6] =	ssyncset.done $0x0  }
0xe0: {  	s23 =	rddreg [dreg:$0x15];
	[sflag:s6] =	ssyncadd.s32 $0xFFFFF800  }
0xe1: {  	[spmem:s23] =	stream.linear.scatter [tilespmem:s8], [sflag:$0x5], $0x800, $0x38;
	[tilespmem:$0x1B000] =	vst v63  }
0xe2: {  	_ =	swait.ge [sflag:s6], $0x800  }
0xe3: {  	[sflag:s6] =	ssyncset.done $0x0  }
0xe4: {  	s24 =	rddreg [dreg:$0x16];
	[sflag:s6] =	ssyncadd.s32 $0xFFFFF800  }
0xe5: {  	[spmem:s24] =	stream.linear.scatter [tilespmem:s8], [sflag:$0x5], $0x800, $0x38;
	[tilespmem:$0x1B000] =	vst v63  }
0xe6: {  	_ =	swait.ge [sflag:s6], $0x800  }
0xe7: {  	[sflag:s6] =	ssyncset.done $0x0  }
0xe8: {  	s19 =	rddreg [dreg:$0x17];
	[sflag:s6] =	ssyncadd.s32 $0xFFFFF800  }
0xe9: {  	[spmem:s19] =	stream.linear.scatter [tilespmem:s8], [sflag:$0x5], $0x800, $0x38;
	[tilespmem:$0x1B000] =	vst v63  }
0xea: {  	_ =	swait.ge [sflag:s6], $0x800  }
0xeb: {  	[sflag:s6] =	ssyncset.done $0x0  }
0xec: {  	s20 =	rddreg [dreg:$0x18];
	[sflag:s6] =	ssyncadd.s32 $0xFFFFF800  }
0xed: {  	[spmem:s20] =	stream.linear.scatter [tilespmem:s8], [sflag:$0x5], $0x800, $0x38;
	[tilespmem:$0x1B000] =	vst v63  }
0xee: {  	_ =	swait.ge [sflag:s6], $0x800  }
0xef: {  	[sflag:s6] =	ssyncset.done $0x0  }
0xf0: {  	s21 =	rddreg [dreg:$0x19];
	[sflag:s6] =	ssyncadd.s32 $0xFFFFF800  }
0xf1: {  	[spmem:s21] =	stream.linear.scatter [tilespmem:s8], [sflag:$0x5], $0x800, $0x38;
	[tilespmem:$0x1B000] =	vst v63  }
0xf2: {  	_ =	swait.ge [sflag:s6], $0x800  }
0xf3: {  	[sflag:s6] =	ssyncset.done $0x0  }
0xf4: {  	[sflag:s6] =	ssyncadd.s32 $0xFFFFF800  }
0xf5: {  	[spmem:s28] =	stream.linear.scatter [tilespmem:s8], [sflag:$0x5], $0x800, $0x38;
	[tilespmem:$0x1B000] =	vst v63  }
0xf6: {  	_ =	swait.ge [sflag:s6], $0x800  }
0xf7: {  	[sflag:s6] =	ssyncset.done $0x0  }
0xf8: {  	[sflag:s6] =	ssyncadd.s32 $0xFFFFF800  }
0xf9: {  	[spmem:s29] =	stream.linear.scatter [tilespmem:s8], [sflag:$0x5], $0x800, $0x38;
	[tilespmem:$0x1B000] =	vst v63  }
0xfa: {  	_ =	swait.ge [sflag:s6], $0x800  }
0xfb: {  	[sflag:s6] =	ssyncset.done $0x0  }
0xfc: {  	[sflag:s6] =	ssyncadd.s32 $0xFFFFF800  }
0xfd: {  	[spmem:s30] =	stream.linear.scatter [tilespmem:s8], [sflag:$0x5], $0x800, $0x38;
	[tilespmem:$0x1B000] =	vst v63  }
0xfe: {  	_ =	swait.ge [sflag:s6], $0x800  }
0xff: {  	[sflag:s6] =	ssyncset.done $0x0  }
0x100: {  	[sflag:s6] =	ssyncadd.s32 $0xFFFFF800  }
0x101: {  	[spmem:s31] =	stream.linear.scatter [tilespmem:s8], [sflag:$0x5], $0x800, $0x38;
	[tilespmem:$0x1B000] =	vst v63  }
0x102: {  	_ =	swait.ge [sflag:s6], $0x800  }
0x103: {  	[sflag:s6] =	ssyncset.done $0x0  }
0x104: {  	[sflag:s6] =	ssyncadd.s32 $0xFFFFF800  }
0x105: {  	[spmem:s1] =	stream.linear.scatter [tilespmem:s8], [sflag:$0x5], $0x800, $0x38;
	[tilespmem:$0x1B000] =	vst v63  }
0x106: {  	_ =	swait.ge [sflag:s6], $0x800  }
0x107: {  	[sflag:s6] =	ssyncset.done $0x0  }
0x108: {  	[sflag:s6] =	ssyncadd.s32 $0xFFFFF800  }
0x109: {  	[spmem:s0] =	stream.linear.scatter [tilespmem:s8], [sflag:$0x5], $0x800, $0x38;
	[tilespmem:$0x1B000] =	vst v63  }
0x10a: {  	_ =	swait.ge [sflag:s6], $0x800  }
0x10b: {  	[sflag:s6] =	ssyncset.done $0x0  }
0x10c: {  	[sflag:s6] =	ssyncadd.s32 $0xFFFFF800  }
0x10d: {  	[spmem:s5] =	stream.linear.scatter [tilespmem:s8], [sflag:$0x5], $0x800, $0x38;
	[tilespmem:$0x1B000] =	vst v63  }
0x10e: {  	_ =	swait.ge [sflag:s6], $0x800  }
0x10f: {  	[sflag:s6] =	ssyncset.done $0x0  }
0x110: {  	[sflag:s6] =	ssyncadd.s32 $0xFFFFF800  }
0x111: {  	[bflag:$0x0] =	sbarrier.arrive $0xFFFF  }
0x112: {  	[tilespmem:s11], [sflag:$0x1] =	stream.indirect.gather [spmem:s2], $0x40, s26, s17, $0xb8;
	[tilespmem:$0x1B000] =	vst v63  }
0x113: {  	s22 =	simm.s32 $0x1480  }
0x114: {  	[tilespmem:s13], [sflag:$0x2] =	stream.indirect.gather [spmem:s2], $0x40, s22, s17, $0xb8;
	[tilespmem:$0x1B000] =	vst v63  }
0x115: {  	_ =	swait.ge [sflag:s14], $0x2000  }
0x116: {  	s18 =	sand.u32 $0x1, s18;
	s15 =	simm.s32 $0x1500;
	[sflag:s14] =	ssyncset.done $0x0  }
0x117: {  	s23 =	sadd.s32 $0x3, s18;
	s24 =	sshll.u32 s18, $0xD;
	[sflag:s14] =	ssyncadd.s32 $0xFFFFE000  }
0x118: {  	[spmem:s3] =	stream.indirect.scatter.add.f32 [tilespmem:s11], [sflag:$0x3], $0x40, s25, s17, $0xb8;
	[tilespmem:$0x1B000] =	vst v63  }
0x119: {  	s18 =	sadd.s32 $0x1, s18;
	s22 =	simm.s32 $0x1;
	_ =	swait.ge [sflag:s23], $0x2000  }
0x11a: {  	s19 =	simm.s32 $0x80;
	s22 =	sand.u32 $0x1, s22;
	[sflag:s23] =	ssyncset.done $0x0  }
0x11b: {  	s20 =	sadd.s32 $0x1, s22;
	[sflag:s23] =	ssyncadd.s32 $0xFFFFE000;
	s23 =	sadd.s32 $0x2800, s24  }
0x11c: {  	[tilespmem:s23], [sflag:s18] =	stream.indirect.gather [spmem:s2], $0x40, s15, s10, $0xb8;
	[tilespmem:$0x1B000] =	vst v63  }
0x11d: {  	s24 =	sshll.u32 s22, $0xD;
	s22 =	sadd.s32 $0x3, s22;
	_ =	swait.ge [sflag:s20], $0x2000  }
0x11e: {  	s18 =	simm.s32 $0x3;
	s21 =	sadd.s32 $0x2800, s24;
	[sflag:s20] =	ssyncset.done $0x0  }
.LBB2_6:
0x11f: {  	[sflag:s20] =	ssyncadd.s32 $0xFFFFE000  }
0x120: {  	s17 =	sadd.s32 $0x80, s17;
	s15 =	sadd.s32 $0x80, s15;
	s20 =	smov.u32 s18  }
0x121: {  	[spmem:s3] =	stream.indirect.scatter.add.f32 [tilespmem:s21], [sflag:s22], $0x40, s19, s10, $0xb8;
	[tilespmem:$0x1B000] =	vst v63  }
0x122: {  	p0 =	sne.s32 s18, $0x27;
	s18 =	sadd.s32 $0x1, s18;
	s21 =	sand.u32 $0x1, s20  }
0x123: {  	s19 =	smov.u32 s17;
	s22 =	sadd.s32 $0x3, s21;
	s23 =	sshll.u32 s21, $0xD  }
0x124: {  	s20 =	sadd.s32 $0xFFFFFFFF, s20;
	_ =	swait.ge [sflag:s22], $0x2000  }
0x125: {  	s21 =	sadd.s32 $0x1, s21;
	s24 =	sand.u32 $0x1, s20;
	[sflag:s22] =	ssyncset.done $0x0  }
.Ltmp2:
0x126: {  	s20 =	sadd.s32 $0x2800, s23;
	[sflag:s22] =	ssyncadd.s32 $0xFFFFE000;
	(pc) =	sbr.rel @p0 .LBB2_6-.Ltmp2, $4  }
0x127: {  	[tilespmem:s20], [sflag:s21] =	stream.indirect.gather [spmem:s2], $0x40, s15, s10, $0xb8;
	[tilespmem:$0x1B000] =	vst v63  }
0x128: {  	s21 =	sshll.u32 s24, $0xD;
	s20 =	sadd.s32 $0x1, s24  }
0x129: {  	_ =	swait.ge [sflag:s20], $0x2000  }
0x12a: {  	s22 =	sadd.s32 $0x3, s24;
	s21 =	sadd.s32 $0x2800, s21;
	[sflag:s20] =	ssyncset.done $0x0  }
0x12b: {  	[sflag:s20] =	ssyncadd.s32 $0xFFFFE000  }
0x12c: {  	[spmem:s3] =	stream.indirect.scatter.add.f32 [tilespmem:s21], [sflag:s22], $0x40, s19, s10, $0xb8;
	[tilespmem:$0x1B000] =	vst v63  }
0x12d: {  	_ =	swait.ge [sflag:s22], $0x2000  }
0x12e: {  	[sflag:s22] =	ssyncset.done $0x0  }
0x12f: {  	s15 =	simm.s32 $0x2;
	[sflag:s22] =	ssyncadd.s32 $0xFFFFE000  }
0x130: {  	_ =	swait.ge [sflag:s15], $0x2000  }
0x131: {  	[sflag:s15] =	ssyncset.done $0x0  }
0x132: {  	s22 =	simm.s32 $0x1380;
	[sflag:s15] =	ssyncadd.s32 $0xFFFFE000  }
0x133: {  	[spmem:s3] =	stream.indirect.scatter.add.f32 [tilespmem:s13], [sflag:$0x4], $0x40, s22, s10, $0xb8;
	[tilespmem:$0x1B000] =	vst v63  }
0x134: {  	_ =	swait.ge [sflag:s12], $0x2000  }
0x135: {  	[sflag:s12] =	ssyncset.done $0x0  }
0x136: {  	[sflag:s12] =	ssyncadd.s32 $0xFFFFE000  }
0x137: {  	[bflag:$0x0] =	sbarrier.arrive $0xFFFF  }
0x138: {  	s23 =	rddreg [dreg:$0xc]  }
0x139: {  	[hbm:s23], [sflag:s4] =	dma.local [spmem:s16], $0x1400  }
0x13a: {  	_ =	swait.ge [sflag:s6], $0x1400  }
0x13b: {  	s7 =	sadd.s32 $0x1, s7;
	s24 =	rddreg [dreg:$0xd]  }
0x13c: {  	p0 =	sne.s32 s7, s24  }
.Ltmp3:
0x13d: {  	_ = 	snop;
	(pc) =	sbr.rel @p0 .LBB2_1-.Ltmp3, $3  }
0x13e: {  	[sflag:s6] =	ssyncset.done $0x0  }
0x13f: {  	[sflag:s6] =	ssyncadd.s32 $0xFFFFEC00  }
0x140: {  	[bflag:$0x0] =	sbarrier.arrive $0xFFFF;
	_ =	sdelay $0x1  }
0x141: {  	_ =	sfence.sel $0x180000  }
0x142: {  	[bflag:$0x0] =	sbarrier.arrive $0xFFFF  }
0x143: {  	_ =	strace $0x9000004A  }
0x144: {  	s0 =	stileid.u32;
	[bflag:$0x2] =	sbarrier.arrive $0xFFFF  }
0x145: {  	p0 =	sne.s32 s0, $0x0;
	s0 =	rddreg [dreg:$0x4]  }
0x146: {  	s0 =	sadd.s32 @!p0 $0x100000, s0  }
0x147: {  	[sflag:s0] =	ssyncadd.tile.s32 @!p0 $0x1;
	_ =	shalt  }
.Lfunc_end2:
_tile_overlayer_lowered:
.L_overlay_start_2:
0x148: {  	(tag) =	ssettag $0x2  }
0x149: {  	s0 =	rddreg [dreg:$0x0];
	s2 =	stileid.u32  }
0x14a: {  	s1 =	rddreg [dreg:$0x1];
	p0 =	sne.s32 s2, $0x0  }
0x14b: {  	s3 =	rddreg [dreg:$0x2];
	[bflag:$0x3] =	sbarrier.arrive $0xFFFF;
	s2 =	simm.s32 @!p0 $0x1C05  }
0x14c: {  	[timem:s3], [sflag:s2] =	dma.local @!p0 [hbm:s0], s1  }
0x14d: {  	s0 =	simm.s32 @!p0 $0x5  }
0x14e: {  	_ =	swait.ge @!p0 [sflag:s0], s1  }
0x14f: {  	s1 =	ssub.s32 @!p0 $0x0, s1;
	[sflag:s0] =	ssyncset.done @!p0 $0x0  }
0x150: {  	[sflag:s0] =	ssyncadd.s32 @!p0 s1  }
0x151: {  	[bflag:$0x3] =	sbarrier.arrive $0xFFFF  }
0x152: {  	_ =	shalt  }

// kernel: kernel.7.cloned.1.call-start
scs
__scs_entry_jumppad:
0x0: {  	(pc) =	sbr.rel $0x88, $3  }
0x1: {  	(tag) =	ssettag $0x0;
	lr =	simm.s32 $0x1  }
0x2: {  	[smem:$0x3F9C] =	sst lr;
	_ =	strace $0xD0000000  }
0x3: {  	_ = 	snop  }
0x4: {  	_ = 	snop  }
0x5: {  	_ = 	snop  }
0x6: {  	_ = 	snop  }
0x7: {  	_ = 	snop  }
__scs_overlays_trampoline_lowered:
0x8: {  	[smem:$0x3FAB] =	sst s0  }
0x9: {  	[smem:$0x3FAC] =	sst s1  }
0xa: {  	[smem:$0x3FAD] =	sst s2  }
0xb: {  	[smem:$0x3FAE] =	sst s3  }
0xc: {  	[smem:$0x3FAF] =	sst s4  }
0xd: {  	[smem:$0x3FB0] =	sst s5  }
0xe: {  	[smem:$0x3FB1] =	sst s6  }
0xf: {  	[smem:$0x3FB2] =	sst s7  }
0x10: {  	[smem:$0x3FB3] =	sst s8  }
0x11: {  	[smem:$0x3FB4] =	sst s9;
	s0 =	simm.s32 @!p0 $0x0  }
0x12: {  	s1 =	sld [smem:$0x3F9A];
	s0 =	simm.s32 @p0 $0x1  }
0x13: {  	[smem:$0x3FB5] =	sst s0;
	s0 =	simm.s32 @!p1 $0x0  }
0x14: {  	s2 =	sld [smem:$0x3F99];
	s0 =	simm.s32 @p1 $0x1  }
0x15: {  	[smem:$0x3FB6] =	sst s0;
	s0 =	simm.s32 @!p2 $0x0  }
0x16: {  	s3 =	sld [smem:$0x3FDB];
	s0 =	simm.s32 @p2 $0x1  }
0x17: {  	s4 =	simm.s32 $0x1BF5;
	[smem:$0x3FB8] =	sst s0  }
0x18: {  	s0 =	sld [smem:$0x3F9B];
	_ =	swait.ge [sflag:s4], $0x0  }
0x19: {  	s7 =	sld [smem:$0x3F9C]  }
0x1a: {  	s8 =	sadd.s32 $0xFFFFE003, lr  }
0x1b: {  	s9 =	sadd.s32 $0xFFFFFEF7, lr;
	s5 =	simm.s32 $0xFFFFFFFF;
	p2 =	slt.u32 s8, $0xFFFFF086  }
0x1c: {  	p1 =	slt.u32 s9, $0xF7A;
	s5 =	simm.s32 @!p2 $0x0  }
0x1d: {  	s5 =	simm.s32 @p1 $0x1;
	p0 =	seq.s32 s7, s2  }
0x1e: {  	s7 =	smul.u32 @!p0 $0xF7A, s2;
	p2 =	seq.s32 @!p0 s5, $0x0  }
0x1f: {  	s9 =	smul.u32 $0xF7A, s1;
	s8 =	simm.s32 @!p0 $0x1BF5;
	p2 =	por !p2, p0  }
0x20: {  	[sflag:s8] =	ssyncset.s32 @!p0 $0xFFFFF086;
	s6 =	sadd.s32 @!p0 s3, s7;
	s7 =	simm.s32 @!p0 $0x108  }
0x21: {  	s3 =	sadd.s32 s3, s9;
	s6 =	sadd.s32 @!p0 $0x88, s6;
	s7 =	simm.s32 @p2 $0x1082  }
0x22: {  	[simem:s7], [sflag:s8] =	dma.local @!p0 [hbm:s6], $0xF7A  }
0x23: {  	s9 =	sor.u32 $0xD0000000, s2;
	s6 =	simm.s32 $0x108;
	_ =	swait.ge @!p0 [sflag:s8], $0x0  }
0x24: {  	s3 =	sadd.s32 $0x88, s3;
	s6 =	simm.s32 @!p1 $0x1082;
	[sflag:s4] =	ssyncset.s32 $0xFFFFF086  }
0x25: {  	[simem:s6], [sflag:s4] =	dma.local [hbm:s3], $0xF7A  }
0x26: {  	[smem:$0x3F9C] =	sst s1;
	(tag) =	ssettag s2;
	_ =	strace s9  }
0x27: {  	s1 =	sld [smem:$0x3FAC]  }
0x28: {  	s2 =	sld [smem:$0x3FAD]  }
0x29: {  	s4 =	sld [smem:$0x3FAF]  }
0x2a: {  	p0 =	seq.s32 s5, $0x0;
	s5 =	sld [smem:$0x3FB0]  }
0x2b: {  	s6 =	sld [smem:$0x3FB1]  }
0x2c: {  	s7 =	sld [smem:$0x3FB2]  }
0x2d: {  	s3 =	simm.s32 $0x108;
	s8 =	sld [smem:$0x3FB3]  }
0x2e: {  	s3 =	simm.s32 @!p0 $0x1082;
	s9 =	sld [smem:$0x3FB4]  }
0x2f: {  	lr =	sadd.s32 s0, s3;
	s0 =	sld [smem:$0x3FAB]  }
0x30: {  	s3 =	sld [smem:$0x3FAE]  }
0x31: {  	[smem:$0x3FB7] =	sst s10  }
0x32: {  	s10 =	sld [smem:$0x3FB5];
	_ =	sdelay $0x3  }
0x33: {  	p0 =	seq.s32 s10, $0x1;
	s10 =	sld [smem:$0x3FB7];
	_ =	sdelay $0x3  }
0x34: {  	[smem:$0x3FB7] =	sst s10  }
0x35: {  	s10 =	sld [smem:$0x3FB6];
	_ =	sdelay $0x3  }
0x36: {  	p1 =	seq.s32 s10, $0x1;
	s10 =	sld [smem:$0x3FB7];
	_ =	sdelay $0x3  }
0x37: {  	[smem:$0x3FB7] =	sst s10  }
0x38: {  	s10 =	sld [smem:$0x3FB8]  }
0x39: {  	_ = 	snop;
	(pc) =	sbr.ind lr, $3  }
0x3a: {  	_ = 	snop  }
0x3b: {  	_ = 	snop  }
0x3c: {  	p2 =	seq.s32 s10, $0x1;
	s10 =	sld [smem:$0x3FB7]  }
0x3d: {  	_ =	shalt  }
0x3e: {  	_ =	shalt  }
0x3f: {  	_ =	shalt  }
0x40: {  	_ =	shalt  }
0x41: {  	_ =	shalt  }
0x42: {  	_ =	shalt  }
0x43: {  	_ =	shalt  }
0x44: {  	_ =	shalt  }
0x45: {  	_ =	shalt  }
0x46: {  	_ =	shalt  }
0x47: {  	_ =	shalt  }
0x48: {  	_ =	shalt  }
0x49: {  	_ =	shalt  }
0x4a: {  	_ =	shalt  }
0x4b: {  	_ =	shalt  }
0x4c: {  	_ =	shalt  }
0x4d: {  	_ =	shalt  }
0x4e: {  	_ =	shalt  }
0x4f: {  	_ =	shalt  }
0x50: {  	_ =	shalt  }
0x51: {  	_ =	shalt  }
0x52: {  	_ =	shalt  }
0x53: {  	_ =	shalt  }
0x54: {  	_ =	shalt  }
0x55: {  	_ =	shalt  }
0x56: {  	_ =	shalt  }
0x57: {  	_ =	shalt  }
0x58: {  	_ =	shalt  }
0x59: {  	_ =	shalt  }
0x5a: {  	_ =	shalt  }
0x5b: {  	_ =	shalt  }
0x5c: {  	_ =	shalt  }
0x5d: {  	_ =	shalt  }
0x5e: {  	_ =	shalt  }
0x5f: {  	_ =	shalt  }
0x60: {  	_ =	shalt  }
0x61: {  	_ =	shalt  }
0x62: {  	_ =	shalt  }
0x63: {  	_ =	shalt  }
0x64: {  	_ =	shalt  }
0x65: {  	_ =	shalt  }
0x66: {  	_ =	shalt  }
0x67: {  	_ =	shalt  }
0x68: {  	_ =	shalt  }
0x69: {  	_ =	shalt  }
0x6a: {  	_ =	shalt  }
0x6b: {  	_ =	shalt  }
0x6c: {  	_ =	shalt  }
0x6d: {  	_ =	shalt  }
0x6e: {  	_ =	shalt  }
0x6f: {  	_ =	shalt  }
0x70: {  	_ =	shalt  }
0x71: {  	_ =	shalt  }
0x72: {  	_ =	shalt  }
0x73: {  	_ =	shalt  }
0x74: {  	_ =	shalt  }
0x75: {  	_ =	shalt  }
0x76: {  	_ =	shalt  }
0x77: {  	_ =	shalt  }
0x78: {  	_ =	shalt  }
0x79: {  	_ =	shalt  }
0x7a: {  	_ =	shalt  }
0x7b: {  	_ =	shalt  }
0x7c: {  	_ =	shalt  }
0x7d: {  	_ =	shalt  }
0x7e: {  	_ =	shalt  }
0x7f: {  	_ =	shalt  }
0x80: {  	_ =	shalt  }
0x81: {  	_ =	shalt  }
0x82: {  	_ =	shalt  }
0x83: {  	_ =	shalt  }
0x84: {  	_ =	shalt  }
0x85: {  	_ =	shalt  }
0x86: {  	_ =	shalt  }
0x87: {  	_ =	shalt  }
.Lfunc_end0:
.L_simem_size_0:
called_computation_lowered:
.L_overlay_start_0:
0x88: {  	s2 =	sld [smem:$0x3FD9]  }
0x89: {  	s3 =	sld [smem:$0x3FFE];
	_ =	sdelay $0x1  }
0x8a: {  	s1 =	srdreg.scid  }
0x8b: {  	s0 =	sand.u32 $0x1, s1  }
0x8c: {  	s17 =	sshll.u32 s0, $0xA;
	s2 =	sadd.s32 s3, s2  }
0x8d: {  	s2 =	sadd.s32 s2, s17  }
0x8e: {  	[smem:$0x3FC3] =	sst s2  }
0x8f: {  	_ = 	snop  }
0x90: {  	s2 =	sld [smem:$0x3FD0];
	(tm) =	ssettm $0x1  }
0x91: {  	s18 =	sld [smem:$0x3FFB];
	_ =	sdelay $0x3  }
0x92: {  	_ =	strace s18  }
0x93: {  	s3 =	sld [smem:$0x3FFC];
	_ =	sdelay $0x3  }
0x94: {  	_ =	strace s3  }
0x95: {  	s3 =	sld [smem:$0x3FFD];
	_ =	sdelay $0x3  }
0x96: {  	_ =	strace s3  }
0x97: {  	_ =	strace $0x8FFFFFFF  }
0x98: {  	s19 =	sld [smem:$0x3FDB];
	_ =	sdelay $0x1  }
0x99: {  	s4 =	simm.s32 $_scs_section_size  }
0x9a: {  	s5 =	simm.s32 $_size__tile_overlayer_lowered;
	s6 =	simm.s32 $_tile_overlayer_lowered  }
0x9b: {  	s22 =	simm.s32 $0x1BFF;
	s21 =	sshll.u32 s6, $0x1;
	s3 =	sadd.s32 s4, s19  }
0x9c: {  	s7 =	simm.s32 $0x0;
	s20 =	sshll.u32 s5, $0x1;
	s5 =	sadd.s32 s21, s3  }
0x9d: {  	[timem:s7], [sflag:s22] =	dma.local [hbm:s5], s20  }
0x9e: {  	_ =	swait.ge [sflag:s22], s20  }
0x9f: {  	s4 =	ssub.s32 $0x0, s20;
	[sflag:s22] =	ssyncset.done $0x0  }
0xa0: {  	[sflag:s22] =	ssyncadd.s32 s4;
	_ =	sdelay $0x1  }
0xa1: {  	s23 =	simm.s32 $0x1B8B  }
0xa2: {  	_ =	swait.ge [sflag:s23], $0x1  }
0xa3: {  	[sflag:s23] =	ssyncset.done $0x0  }
0xa4: {  	s25 =	simm.s32 $0x1B8E;
	s24 =	sld [smem:$0x3FFE];
	[sflag:s23] =	ssyncadd.s32 $0xFFFFFFFF  }
0xa5: {  	s26 =	simm.s32 $execute0_lowered;
	[smem:$0x3FD2] =	sst s25  }
0xa6: {  	s5 =	sshll.u32 s26, $0x1;
	_ =	strace $0x80000046;
	[dreg:$0x1] =	wrdreg $0xFFFFFFFF  }
0xa7: {  	s28 =	simm.s32 $_size_execute0_lowered;
	s3 =	sadd.s32 s3, s5;
	[dreg:$0x0] =	wrdreg $0x0  }
0xa8: {  	s5 =	sshll.u32 s28, $0x1;
	[dreg:$0x2] =	wrdreg s3  }
0xa9: {  	[dreg:$0x3] =	wrdreg s5  }
0xaa: {  	[dreg:$0x4] =	wrdreg $0xC0  }
0xab: {  	_ =	task [dreg:s7], $0x5FFFF  }
0xac: {  	[dreg:$0x1] =	wrdreg $0xFFFFFFFF  }
0xad: {  	[dreg:$0x0] =	wrdreg $0x60  }
0xae: {  	[dreg:$0x2] =	wrdreg s24  }
0xaf: {  	[dreg:$0x3] =	wrdreg s2  }
0xb0: {  	[dreg:$0x4] =	wrdreg $0x88000  }
0xb1: {  	[dreg:$0x5] =	wrdreg $0xB0000  }
0xb2: {  	[dreg:$0x6] =	wrdreg $0xD8000  }
0xb3: {  	[dreg:$0x7] =	wrdreg $0x100000  }
0xb4: {  	[dreg:$0x8] =	wrdreg $0x9  }
0xb5: {  	_ =	task.clear_ibuf [dreg:s7], $0x9FFFF;
	_ =	strace $0x90000046  }
0xb6: {  	s29 =	simm.s32 $0x9;
	_ =	strace $0x80000048  }
0xb7: {  	_ =	swait.ge [sflag:s29], $0x1  }
0xb8: {  	[sflag:s29] =	ssyncadd.s32 $0xFFFFFFFF  }
0xb9: {  	_ =	strace $0x90000048  }
0xba: {  	_ =	sfence  }
0xbb: {  	s30 =	sld [smem:$0x0];
	_ =	sdelay $0x2  }
0xbc: {  	s31 =	sshll.u32 s1, $0xD;
	s1 =	sshrl.u32 s1, $0x2  }
0xbd: {  	s3 =	sand.u32 $0x4000, s31;
	s1 =	sadd.s32 s1, s30  }
0xbe: {  	s0 =	sor.u32 s3, s0;
	s1 =	sshll.u32 s1, $0x11  }
0xbf: {  	s0 =	sor.u32 s1, s0  }
0xc0: {  	s0 =	sadd.s32 $0x8F2B, s0  }
0xc1: {  	[sflag:s0] =	ssyncadd.remote.s32 $0x1  }
0xc2: {  	_ =	sfence.sel $0xFFFF  }
0xc3: {  	[dreg:$0x0] =	wrdreg $0xFFFFFFFF;
	(pc) =	sbr.abs _section_cstart, $3  }
0xc4: {  	[dreg:$0x1] =	wrdreg $0xFFFFFFFF  }
0xc5: {  	_ =	task.clear_ibuf [dreg:s7], $0x2FFFF;
	_ =	strace $0x9FFFFFFF  }
0xc6: {  	(tm) =	ssettm $0x7FFFFFFF  }
0xc7: {  	_ =	shalt  }
tec
execute0_lowered:
.L_overlay_start_1:
0x0: {  	(tag) =	ssettag $0x1  }
0x1: {  	s0 =	rddreg [dreg:$0x0]  }
0x2: {  	s2 =	rddreg [dreg:$0x1];
	s3 =	srdreg.scid  }
0x3: {  	s6 =	stileid.u32;
	s1 =	rddreg [dreg:$0x2];
	s17 =	simm.s32 $0x8  }
0x4: {  	s20 =	simm.s32 $0x1400;
	s21 =	simm.s32 $0x80;
	s24 =	simm.s32 $0x5800  }
0x5: {  	s25 =	simm.s32 $0x5;
	s26 =	simm.s32 $0x6;
	s7 =	sand.u32 $0x1, s3  }
0x6: {  	s4 =	sshll.u32 s6, $0x1;
	s3 =	rddreg [dreg:$0x3];
	s9 =	smul.u32 $0x2800, s6  }
0x7: {  	s6 =	simm.s32 $0x0;
	s5 =	sor.u32 s7, s4;
	s4 =	rddreg [dreg:$0x4]  }
0x8: {  	s28 =	simm.s32 $0x7;
	s10 =	smul.u32 $0x28000, s7;
	[smem:$0x7FF] =	sst s6  }
0x9: {  	s7 =	ssub.s32 $0x2, s7;
	s8 =	smul.u32 $0x280, s5;
	s5 =	rddreg [dreg:$0x5]  }
0xa: {  	_ =	strace $0x80000047;
	s30 =	sshrl.u32 s9, $0x3;
	s31 =	sshrl.u32 s7, $0x1  }
0xb: {  	s16 =	sadd.s32 s9, s4;
	s29 =	sadd.s32 s9, s10;
	s10 =	sadd.s32 s30, s0  }
0xc: {  	s15 =	ssub.s32 s7, s31;
	s7 =	sadd.s32 s9, s1;
	s18 =	sshrl.u32 s16, $0x3  }
0xd: {  	s12 =	sadd.s32 s8, s0;
	s13 =	sshrl.u32 s29, $0x3;
	s8 =	sadd.s32 s9, s3  }
0xe: {  	s11 =	sadd.s32 $0x1200, s10;
	s9 =	sadd.s32 s9, s5;
	s10 =	sadd.s32 $0x6200, s10  }
0xf: {  	s15 =	smax.u32 s15, $0x1;
	s0 =	sadd.s32 s13, s0;
	[dreg:$0x7] =	wrdreg s11  }
0x10: {  	[dreg:$0x8] =	wrdreg s10;
	s11 =	sadd.s32 $0x10200, s12;
	s12 =	sadd.s32 $0xB200, s12  }
0x11: {  	v0 =	vimm.f32 $1.000000000e+00;
	v1 =	vimm.f32 $0.0e+00;
	s13 =	sadd.s32 s2, s13;
	s19 =	sshrl.u32 s9, $0x3;
	s14 =	sadd.s32 $0x15200, s0  }
.LBB2_1:
0x12: {  	s2 =	simm.s32 $0x5840  }
0x13: {  	[tilespmem:s2+$0xFFFFFFC0] =	vst v0  }
0x14: {  	[tilespmem:s2+$0x30] =	vst v0  }
0x15: {  	[tilespmem:s2+$0x20] =	vst v0  }
0x16: {  	[tilespmem:s2+$0x10] =	vst v0  }
0x17: {  	[tilespmem:s2+$0x0] =	vst v0  }
0x18: {  	[tilespmem:s2+$0xFFFFFFF0] =	vst v0  }
0x19: {  	s9 =	simm.s32 $0x0;
	[tilespmem:s2+$0xFFFFFFE0] =	vst v0  }
.LBB2_2:
0x1a: {  	s9 =	sadd.s32 $0x8, s9;
	[tilespmem:s2+$0xFFFFFFD0] =	vst v0;
	s2 =	sadd.s32 $0x80, s2;
	s0 =	simm.s32 $0x6040  }
0x1b: {  	[tilespmem:s2+$0xFFFFFFC0] =	vst v0;
	p0 =	slt.u32 s9, $0x78  }
0x1c: {  	[tilespmem:s2+$0x30] =	vst v0  }
.Ltmp0:
0x1d: {  	[tilespmem:s2+$0x20] =	vst v0;
	(pc) =	sbr.rel @p0 .LBB2_2-.Ltmp0, $4  }
0x1e: {  	[tilespmem:s2+$0x10] =	vst v0  }
0x1f: {  	[tilespmem:s2+$0x0] =	vst v0  }
0x20: {  	[tilespmem:s2+$0xFFFFFFF0] =	vst v0  }
0x21: {  	[tilespmem:s2+$0xFFFFFFE0] =	vst v0  }
0x22: {  	[tilespmem:s2+$0xFFFFFFD0] =	vst v0  }
0x23: {  	[tilespmem:s0+$0xFFFFFFC0] =	vst v1  }
0x24: {  	[tilespmem:s0+$0x30] =	vst v1  }
0x25: {  	[tilespmem:s0+$0x20] =	vst v1  }
0x26: {  	[tilespmem:s0+$0x10] =	vst v1  }
0x27: {  	[tilespmem:s0+$0x0] =	vst v1  }
0x28: {  	[tilespmem:s0+$0xFFFFFFF0] =	vst v1  }
0x29: {  	s2 =	simm.s32 $0x0;
	[tilespmem:s0+$0xFFFFFFE0] =	vst v1  }
.LBB2_4:
0x2a: {  	s2 =	sadd.s32 $0x8, s2;
	[tilespmem:s0+$0xFFFFFFD0] =	vst v1;
	s0 =	sadd.s32 $0x80, s0  }
0x2b: {  	[tilespmem:s0+$0xFFFFFFC0] =	vst v1;
	p0 =	slt.u32 s2, $0x278  }
0x2c: {  	[tilespmem:s0+$0x30] =	vst v1  }
.Ltmp1:
0x2d: {  	[tilespmem:s0+$0x20] =	vst v1;
	(pc) =	sbr.rel @p0 .LBB2_4-.Ltmp1, $4  }
0x2e: {  	[tilespmem:s0+$0x10] =	vst v1  }
0x2f: {  	[tilespmem:s0+$0x0] =	vst v1  }
0x30: {  	[tilespmem:s0+$0xFFFFFFF0] =	vst v1  }
0x31: {  	[tilespmem:s0+$0xFFFFFFE0] =	vst v1  }
0x32: {  	[tilespmem:s0+$0xFFFFFFD0] =	vst v1;
	s9 =	simm.s32 $0x6000  }
0x33: {  	[spmem:s7] =	stream.linear.scatter [tilespmem:s9], [sflag:$0x8], $0x2800, $0x38;
	[tilespmem:$0x12800] =	vst v63  }
0x34: {  	_ =	swait.ge [sflag:s17], $0x2800  }
0x35: {  	[sflag:s17] =	ssyncset.done $0x0  }
0x36: {  	[sflag:s17] =	ssyncadd.s32 $0xFFFFD800  }
0x37: {  	[spmem:s8] =	stream.linear.scatter [tilespmem:s9], [sflag:$0x8], $0x2800, $0x38;
	[tilespmem:$0x12800] =	vst v63  }
0x38: {  	s10 =	stileid.u32;
	_ =	swait.ge [sflag:s17], $0x2800  }
0x39: {  	s0 =	sshll.u32 s10, $0x6;
	[sflag:s17] =	ssyncset.done $0x0  }
0x3a: {  	s29 =	sor.u32 $0x1C08, s0;
	s16 =	rddreg [dreg:$0x7];
	[sflag:s17] =	ssyncadd.s32 $0xFFFFD800  }
0x3b: {  	[spmem:s18], [sflag:s29] =	dma.local [hbm:s16], $0x500  }
0x3c: {  	_ =	swait.ge [sflag:s17], $0x500  }
0x3d: {  	[sflag:s17] =	ssyncset.done $0x0  }
0x3e: {  	s22 =	rddreg [dreg:$0x8];
	[sflag:s17] =	ssyncadd.s32 $0xFFFFFB00  }
0x3f: {  	[spmem:s19], [sflag:s29] =	dma.local [hbm:s22], $0x500  }
0x40: {  	_ =	swait.ge [sflag:s17], $0x500  }
0x41: {  	[sflag:s17] =	ssyncset.done $0x0  }
0x42: {  	s30 =	simm.s32 $0x0;
	[sflag:s17] =	ssyncadd.s32 $0xFFFFFB00  }
0x43: {  	[tilespmem:s30], [sflag:$0x8] =	stream.linear.gather [hbm4b:s11+s30], $0x1400, $0x38;
	[tilespmem:$0x12800] =	vst v63  }
0x44: {  	_ =	swait.ge [sflag:s17], $0x1400  }
0x45: {  	[sflag:s17] =	ssyncset.done $0x0  }
0x46: {  	[sflag:s17] =	ssyncadd.s32 $0xFFFFEC00  }
0x47: {  	[tilespmem:s20], [sflag:$0x8] =	stream.linear.gather [hbm4b:s12+s30], $0x1400, $0x38;
	[tilespmem:$0x12800] =	vst v63  }
0x48: {  	_ =	swait.ge [sflag:s17], $0x1400  }
0x49: {  	[sflag:s17] =	ssyncset.done $0x0  }
0x4a: {  	[sflag:s17] =	ssyncadd.s32 $0xFFFFEC00  }
0x4b: {  	s23 =	simm.s32 $0x2800;
	[bflag:$0x0] =	sbarrier.arrive $0xFFFF  }
0x4c: {  	[tilespmem:s23], [sflag:$0x1] =	stream.indirect.gather [spmem:s4], $0x10, s30, s21, $0xb8;
	[tilespmem:$0x12800] =	vst v63  }
0x4d: {  	s31 =	simm.s32 $0x3800;
	p0 =	por $0x0, $0x0  }
0x4e: {  	[tilespmem:s31], [sflag:$0x3] =	stream.indirect.gather [spmem:s5], $0x10, s20, s21, $0xb8;
	[tilespmem:$0x12800] =	vst v63  }
.LBB2_6:
0x4f: {  	s31 =	sadd.s32 $0x1, s30;
	p1 =	seq.s32 s30, $0x27  }
0x50: {  	s0 =	sand.u32 @!p1 $0x1, s31  }
0x51: {  	s2 =	sand.u32 $0x1, s30;
	s22 =	sshll.u32 @!p1 s31, $0x7;
	s9 =	sshll.u32 @!p1 s0, $0xB  }
0x52: {  	s10 =	simm.s32 @!p1 $0x80;
	s23 =	sadd.s32 @!p1 $0x1, s0;
	s16 =	sadd.s32 @!p1 $0x2800, s9  }
0x53: {  	[tilespmem:s16], [sflag:s23] =	stream.indirect.gather @!p1 [spmem:s4], $0x10, s22, s10, $0xb8;
	[tilespmem:$0x12800] =	vst v63  }
0x54: {  	s0 =	sadd.s32 @!p1 $0x3, s0;
	s9 =	sadd.s32 @!p1 $0x3800, s9;
	s16 =	sadd.s32 @!p1 $0x1400, s22  }
0x55: {  	[tilespmem:s9], [sflag:s0] =	stream.indirect.gather @!p1 [spmem:s5], $0x10, s16, s10, $0xb8;
	[tilespmem:$0x12800] =	vst v63  }
0x56: {  	s16 =	sadd.s32 $0x1, s2  }
0x57: {  	_ =	swait.ge [sflag:s16], $0x800  }
0x58: {  	[sflag:s16] =	ssyncset.done $0x0  }
0x59: {  	s22 =	sadd.s32 $0x3, s2;
	[sflag:s16] =	ssyncadd.s32 $0xFFFFF800  }
0x5a: {  	_ =	swait.ge [sflag:s22], $0x800  }
0x5b: {  	p1 =	slt.u32 s30, $0x2;
	[sflag:s22] =	ssyncset.done $0x0  }
0x5c: {  	s9 =	simm.s32 $0x1;
	s10 =	sadd.s32 @!p1 $0x5, s2;
	[sflag:s22] =	ssyncadd.s32 $0xFFFFF800  }
0x5d: {  	s9 =	simm.s32 @!p0 $0x0;
	_ =	swait.ge @!p1 [sflag:s10], $0x800  }
0x5e: {  	s0 =	sshll.u32 s9, $0xB;
	[sflag:s10] =	ssyncset.done @!p1 $0x0  }
0x5f: {  	s9 =	sadd.s32 $0x3840, s0;
	[sflag:s10] =	ssyncadd.s32 @!p1 $0xFFFFF800  }
0x60: {  	v3 =	vld [tilespmem:s9+$0x10]  }
0x61: {  	s23 =	sadd.s32 $0x2840, s0;
	v2 =	vld [tilespmem:s9+$0xFFFFFFC0]  }
0x62: {  	v4 =	vld [tilespmem:s23+$0x30]  }
0x63: {  	v5 =	vld [tilespmem:s9+$0x30]  }
0x64: {  	v6 =	vld [tilespmem:s23+$0xFFFFFFD0]  }
0x65: {  	v7 =	vld [tilespmem:s9+$0xFFFFFFD0]  }
0x66: {  	v8 =	vld [tilespmem:s23+$0xFFFFFFE0]  }
0x67: {  	v9 =	vld [tilespmem:s9+$0xFFFFFFE0]  }
0x68: {  	v11 =	vld [tilespmem:s23+$0xFFFFFFC0]  }
0x69: {  	v12 =	vld [tilespmem:s23+$0x10]  }
0x6a: {  	v10 =	vld [tilespmem:s23+$0xFFFFFFF0]  }
0x6b: {  	v14 =	vld [tilespmem:s23+$0x0]  }
0x6c: {  	v4 =	vadd.f32 v5, v4;
	v5 =	vld [tilespmem:s9+$0xFFFFFFF0]  }
0x6d: {  	s16 =	sadd.s32 $0x80, s9;
	v15 =	vld [tilespmem:s9+$0x0];
	v8 =	vadd.f32 v9, v8  }
0x6e: {  	s22 =	sadd.s32 $0x80, s23;
	v16 =	vld [tilespmem:s16+$0xFFFFFFC0];
	v11 =	vadd.f32 v2, v11;
	v3 =	vadd.f32 v3, v12  }
0x6f: {  	v18 =	vld [tilespmem:s22+$0xFFFFFFD0];
	v6 =	vadd.f32 v7, v6;
	v13 =	vmul.f32 $2.000000030e-01, v4;
	vm0 =	vge.f32 v4, $0.0e+00  }
0x70: {  	v9 =	vld [tilespmem:s9+$0x20];
	v7 =	vmul.f32 $2.000000030e-01, v11;
	vm1 =	vge.f32 v11, $0.0e+00;
	v17 =	vmul.f32 $2.000000030e-01, v3  }
0x71: {  	v4 =	vsel vm0, v4, v13;
	v13 =	vld [tilespmem:s23+$0x20];
	v10 =	vadd.f32 v5, v10;
	v5 =	vmul.f32 $2.000000030e-01, v8  }
0x72: {  	v21 =	vld [tilespmem:s22+$0xFFFFFFF0];
	vm0 =	vge.f32 v8, $0.0e+00;
	v7 =	vsel vm1, v11, v7;
	v4 =	vmul.f32 $1.442695020e+00, v4  }
0x73: {  	v12 =	vld [tilespmem:s22+$0x30];
	v11 =	vmul.f32 $2.000000030e-01, v6;
	v7 =	vmul.f32 $1.442695020e+00, v7;
	v5 =	vsel vm0, v8, v5  }
0x74: {  	vm2 =	vge.f32 v6, $0.0e+00;
	(erf) = vpow2.f32 v4;
	v4 =	vld [tilespmem:s16+$0x30];
	v5 =	vmul.f32 $1.442695020e+00, v5  }
0x75: {  	v22 =	vld [tilespmem:s22+$0xFFFFFFC0];
	v6 =	vsel vm2, v6, v11;
	v8 =	vadd.f32 v15, v14;
	v15 =	vmul.f32 $2.000000030e-01, v10  }
0x76: {  	vm0 =	vge.f32 v3, $0.0e+00;
	v9 =	vadd.f32 v9, v13;
	v13 =	vld [tilespmem:s22+$0xFFFFFFE0];
	(erf) = vpow2.f32 v5  }
0x77: {  	v63 =	vmul.f32 $1.442695020e+00, v6;
	v3 =	vsel vm0, v3, v17;
	v19 =	vmul.f32 $2.000000030e-01, v8;
	v5 =	vld [tilespmem:s16+$0xFFFFFFE0]  }
0x78: {  	v2 =	vld [tilespmem:s16+$0x10];
	vm3 =	vge.f32 v8, $0.0e+00;
	v20 =	vmul.f32 $2.000000030e-01, v9;
	(erf) = vpow2.f32 v7  }
0x79: {  	v14 =	vld [tilespmem:s16+$0xFFFFFFD0];
	vm4 =	vge.f32 v9, $0.0e+00;
	v7 =	vsel vm3, v8, v19;
	v4 =	vadd.f32 v4, v12  }
0x7a: {  	v12 =	vmul.f32 $1.442695020e+00, v7;
	(erf) = vpow2.f32 v63;
	v8 =	vsel vm4, v9, v20;
	v9 =	vld [tilespmem:s16+$0xFFFFFFF0]  }
0x7b: {  	v11 =	vld [tilespmem:s22+$0x10];
	vm1 =	vge.f32 v10, $0.0e+00;
	v19 =	vmul.f32 $2.000000030e-01, v4;
	v17 =	vmul.f32 $1.442695020e+00, v8  }
0x7c: {  	v7 =	vld [tilespmem:s16+$0x0];
	vm0 =	vge.f32 v4, $0.0e+00;
	v8 =	vmul.f32 $1.442695020e+00, v3;
	v6 =	vadd.f32 v5, v13  }
0x7d: {  	v5 =	vld [tilespmem:s22+$0x0];
	v4 =	vsel vm0, v4, v19;
	v19 =	vsel vm1, v10, v15;
	v3 =	vpop (erf);
	(erf) = vpow2.f32 v17  }
0x7e: {  	s23 =	sadd.s32 $0x4840, s0;
	v10 =	vld [tilespmem:s16+$0x20];
	v15 =	vadd.f32 v16, v22;
	v13 =	vmul.f32 $1.442695020e+00, v4;
	v4 =	vadd.f32 v14, v18  }
0x7f: {  	s9 =	simm.s32 $0x8;
	s0 =	smov.u32 s23;
	s16 =	sadd.s32 $0x80, s16;
	vm0 =	vge.f32 v6, $0.0e+00;
	[tilespmem:s23+$0x30] =	vst v3;
	v14 =	vld [tilespmem:s22+$0x20];
	v16 =	vmul.f32 $1.442695020e+00, v19;
	v3 =	vadd.f32 v9, v21;
	v9 =	vpop (erf)  }
.LBB2_7:
0x80: {  	s9 =	sadd.s32 $0x8, s9;
	v17 =	vmul.f32 $2.000000030e-01, v6;
	v11 =	vadd.f32 v2, v11;
	v2 =	vld [tilespmem:s16+$0x10];
	s22 =	sadd.s32 $0x80, s22;
	s23 =	sadd.s32 $0x80, s23;
	(erf) = vpow2.f32 v12  }
0x81: {  	v18 =	vld [tilespmem:s16+$0xFFFFFFC0];
	p1 =	slt.u32 s9, $0x78;
	vm2 =	vge.f32 v15, $0.0e+00;
	v12 =	vmul.f32 $2.000000030e-01, v15;
	v19 =	vpop (erf);
	(erf) = vpow2.f32 v16  }
0x82: {  	vm1 =	vge.f32 v4, $0.0e+00;
	v16 =	vld [tilespmem:s22+$0x30];
	v20 =	vmul.f32 $2.000000030e-01, v11;
	(erf) = vpow2.f32 v13;
	[tilespmem:s0+$0xFFFFFFC0] =	vst v19  }
0x83: {  	v6 =	vsel vm0, v6, v17;
	v13 =	vld [tilespmem:s16+$0x30];
	v12 =	vsel vm2, v15, v12;
	(erf) = vpow2.f32 v8  }
0x84: {  	v5 =	vadd.f32 v7, v5;
	v17 =	vmul.f32 $1.442695020e+00, v6;
	v15 =	vld [tilespmem:s22+$0xFFFFFFD0];
	v7 =	vadd.f32 v10, v14  }
0x85: {  	vm2 =	vge.f32 v11, $0.0e+00;
	v8 =	vmul.f32 $1.442695020e+00, v12;
	v14 =	vmul.f32 $2.000000030e-01, v3;
	v10 =	vld [tilespmem:s16+$0xFFFFFFD0];
	[tilespmem:s0+$0xFFFFFFE0] =	vst v9  }
0x86: {  	vm0 =	vge.f32 v3, $0.0e+00;
	v12 =	vmul.f32 $2.000000030e-01, v4;
	v9 =	vld [tilespmem:s22+$0xFFFFFFE0];
	(erf) = vpow2.f32 v17;
	v6 =	vpop (erf)  }
0x87: {  	vm3 =	vge.f32 v5, $0.0e+00;
	v19 =	vmul.f32 $2.000000030e-01, v5;
	v21 =	vmul.f32 $2.000000030e-01, v7;
	v17 =	vld [tilespmem:s16+$0xFFFFFFE0];
	[tilespmem:s0+$0xFFFFFFD0] =	vst v6;
	v6 =	vpop (erf)  }
0x88: {  	vm4 =	vge.f32 v7, $0.0e+00;
	v22 =	vld [tilespmem:s22+$0xFFFFFFF0];
	v13 =	vadd.f32 v13, v16;
	(erf) = vpow2.f32 v8;
	[tilespmem:s0+$0x20] =	vst v6  }
0x89: {  	v4 =	vsel vm1, v4, v12;
	v5 =	vsel vm3, v5, v19;
	v12 =	vsel vm4, v7, v21;
	v16 =	vld [tilespmem:s22+$0xFFFFFFC0];
	v7 =	vpop (erf)  }
0x8a: {  	v20 =	vsel vm2, v11, v20;
	v21 =	vmul.f32 $1.442695020e+00, v12;
	v19 =	vld [tilespmem:s16+$0xFFFFFFF0];
	v8 =	vmul.f32 $2.000000030e-01, v13;
	[tilespmem:s0+$0x0] =	vst v7;
	v6 =	vpop (erf)  }
.Ltmp2:
0x8b: {  	v4 =	vmul.f32 $1.442695020e+00, v4;
	v12 =	vmul.f32 $1.442695020e+00, v5;
	vm1 =	vge.f32 v13, $0.0e+00;
	v11 =	vld [tilespmem:s22+$0x10];
	v7 =	vpop (erf);
	[tilespmem:s0+$0xFFFFFFF0] =	vst v6;
	(pc) =	sbr.rel @p1 .LBB2_7-.Ltmp2, $4  }
0x8c: {  	v6 =	vadd.f32 v17, v9;
	v5 =	vld [tilespmem:s22+$0x0];
	v9 =	vsel vm1, v13, v8;
	v8 =	vmul.f32 $1.442695020e+00, v20;
	[tilespmem:s23+$0x30] =	vst v7;
	v17 =	vpop (erf)  }
0x8d: {  	v20 =	vsel vm0, v3, v14;
	v7 =	vld [tilespmem:s16+$0x0];
	v13 =	vmul.f32 $1.442695020e+00, v9;
	(erf) = vpow2.f32 v4;
	[tilespmem:s0+$0x10] =	vst v17;
	s0 =	smov.u32 s23  }
0x8e: {  	v4 =	vadd.f32 v10, v15;
	vm0 =	vge.f32 v6, $0.0e+00;
	v10 =	vld [tilespmem:s16+$0x20];
	(erf) = vpow2.f32 v21  }
0x8f: {  	v15 =	vadd.f32 v18, v16;
	s16 =	sadd.s32 $0x80, s16;
	v16 =	vmul.f32 $1.442695020e+00, v20;
	v3 =	vadd.f32 v19, v22;
	v14 =	vld [tilespmem:s22+$0x20];
	v9 =	vpop (erf)  }
0x90: {  	v17 =	vmul.f32 $2.000000030e-01, v6  }
0x91: {  	v2 =	vadd.f32 v2, v11;
	(erf) = vpow2.f32 v12;
	vm2 =	vge.f32 v4, $0.0e+00  }
0x92: {  	v56 =	vmul.f32 $2.000000030e-01, v4;
	vm1 =	vge.f32 v15, $0.0e+00;
	v51 =	vmul.f32 $2.000000030e-01, v15  }
0x93: {  	(erf) = vpow2.f32 v16;
	v55 =	vmul.f32 $2.000000030e-01, v3;
	vm15 =	vge.f32 v3, $0.0e+00  }
0x94: {  	v52 =	vmul.f32 $2.000000030e-01, v2;
	(erf) = vpow2.f32 v13;
	v6 =	vsel vm0, v6, v17  }
0x95: {  	v5 =	vadd.f32 v7, v5;
	vm13 =	vge.f32 v2, $0.0e+00;
	v53 =	vadd.f32 v10, v14  }
0x96: {  	v4 =	vsel vm2, v4, v56;
	(erf) = vpow2.f32 v8;
	v6 =	vmul.f32 $1.442695020e+00, v6  }
0x97: {  	v11 =	vsel vm1, v15, v51;
	v4 =	vmul.f32 $1.442695020e+00, v4;
	v57 =	vmul.f32 $2.000000030e-01, v53  }
0x98: {  	v54 =	vmul.f32 $1.442695020e+00, v11;
	v58 =	vmul.f32 $2.000000030e-01, v5;
	vm3 =	vge.f32 v53, $0.0e+00  }
0x99: {  	vm14 =	vge.f32 v5, $0.0e+00;
	(erf) = vpow2.f32 v6;
	v6 =	vsel vm3, v53, v57  }
0x9a: {  	(erf) = vpow2.f32 v54;
	v5 =	vsel vm14, v5, v58;
	v6 =	vmul.f32 $1.442695020e+00, v6  }
0x9b: {  	[tilespmem:s0+$0xFFFFFFE0] =	vst v9;
	v59 =	vpop (erf);
	v3 =	vsel vm15, v3, v55;
	v5 =	vmul.f32 $1.442695020e+00, v5;
	(erf) = vpow2.f32 v4  }
0x9c: {  	[tilespmem:s0+$0xFFFFFFC0] =	vst v59;
	v2 =	vsel vm13, v2, v52;
	v3 =	vmul.f32 $1.442695020e+00, v3;
	v60 =	vpop (erf);
	(erf) = vpow2.f32 v6  }
0x9d: {  	v2 =	vmul.f32 $1.442695020e+00, v2;
	v61 =	vpop (erf);
	[tilespmem:s0+$0xFFFFFFD0] =	vst v60;
	(erf) = vpow2.f32 v5  }
0x9e: {  	[tilespmem:s0+$0x20] =	vst v61;
	v62 =	vpop (erf);
	(erf) = vpow2.f32 v3  }
0x9f: {  	v63 =	vpop (erf);
	[tilespmem:s0+$0x0] =	vst v62;
	(erf) = vpow2.f32 v2  }
0xa0: {  	s9 =	sadd.s32 $0x80, s23;
	[tilespmem:s0+$0xFFFFFFF0] =	vst v63;
	v3 =	vpop (erf)  }
0xa1: {  	v2 =	vpop (erf);
	[tilespmem:s9+$0x30] =	vst v3  }
0xa2: {  	v3 =	vpop (erf);
	[tilespmem:s0+$0x10] =	vst v2  }
0xa3: {  	v2 =	vpop (erf);
	[tilespmem:s9+$0xFFFFFFE0] =	vst v3  }
0xa4: {  	[tilespmem:s9+$0xFFFFFFC0] =	vst v2;
	v2 =	vpop (erf)  }
0xa5: {  	[tilespmem:s9+$0xFFFFFFD0] =	vst v2;
	v2 =	vpop (erf)  }
0xa6: {  	[tilespmem:s9+$0x20] =	vst v2;
	v2 =	vpop (erf)  }
0xa7: {  	p1 =	sne.s32 s31, $0x28;
	[tilespmem:s9+$0x0] =	vst v2;
	v2 =	vpop (erf)  }
.Ltmp3:
0xa8: {  	s10 =	sshll.u32 s2, $0xB;
	[tilespmem:s9+$0xFFFFFFF0] =	vst v2;
	v2 =	vpop (erf);
	(pc) =	sbr.rel @p1 .LBB2_6-.Ltmp3, $4  }
0xa9: {  	s16 =	sshll.u32 s30, $0x7;
	s22 =	sadd.s32 $0x5, s2;
	s0 =	sadd.s32 $0x4800, s10;
	[tilespmem:s9+$0x10] =	vst v2  }
0xaa: {  	[spmem:s1] =	stream.indirect.scatter.add.f32 [tilespmem:s0], [sflag:s22], $0x10, s16, s21, $0xb8;
	[tilespmem:$0x12800] =	vst v63  }
0xab: {  	p0 =	por !p0, !p0;
	s30 =	smov.u32 s31;
	s23 =	sadd.s32 $0x1400, s16  }
0xac: {  	[spmem:s3] =	stream.indirect.scatter.add.f32 [tilespmem:s24], [sflag:$0x7], $0x10, s23, s21, $0xb8;
	[tilespmem:$0x12800] =	vst v63  }
0xad: {  	_ =	swait.ge [sflag:s25], $0x800  }
0xae: {  	[sflag:s25] =	ssyncset.done $0x0  }
0xaf: {  	[sflag:s25] =	ssyncadd.s32 $0xFFFFF800  }
0xb0: {  	_ =	swait.ge [sflag:s26], $0x800  }
0xb1: {  	[sflag:s26] =	ssyncset.done $0x0  }
0xb2: {  	[sflag:s26] =	ssyncadd.s32 $0xFFFFF800  }
0xb3: {  	_ =	swait.ge [sflag:s28], $0x800  }
0xb4: {  	s0 =	simm.s32 $0x27;
	[sflag:s28] =	ssyncset.done $0x0  }
.LBB2_10:
0xb5: {  	p0 =	sne.s32 s0, $0x1;
	s0 =	sadd.s32 $0xFFFFFFFF, s0;
	[sflag:s28] =	ssyncadd.s32 $0xFFFFF800  }
.Ltmp4:
0xb6: {  	(pc) =	sbr.rel @p0 .LBB2_10-.Ltmp4, $3  }
0xb7: {  	_ =	sdelay $0x1  }
0xb8: {  	_ =	swait.ge [sflag:s28], $0x800  }
0xb9: {  	[sflag:s28] =	ssyncset.done $0x0  }
0xba: {  	[sflag:s28] =	ssyncadd.s32 $0xFFFFF800  }
0xbb: {  	s0 =	sshrl.u32 s7, $0x3;
	[bflag:$0x0] =	sbarrier.arrive $0xFFFF  }
0xbc: {  	[hbm:s13], [sflag:s29] =	dma.local [spmem:s0], $0x500  }
0xbd: {  	s6 =	sadd.s32 $0x1, s6;
	_ =	swait.ge [sflag:s17], $0x500  }
0xbe: {  	p0 =	sne.s32 s6, s15;
	[sflag:s17] =	ssyncset.done $0x0  }
.Ltmp5:
0xbf: {  	s31 =	sshrl.u32 s8, $0x3;
	[sflag:s17] =	ssyncadd.s32 $0xFFFFFB00;
	(pc) =	sbr.rel @p0 .LBB2_1-.Ltmp5, $4  }
0xc0: {  	[hbm:s14], [sflag:s29] =	dma.local [spmem:s31], $0x500  }
0xc1: {  	_ =	swait.ge [sflag:s17], $0x500  }
0xc2: {  	[sflag:s17] =	ssyncset.done $0x0  }
0xc3: {  	[sflag:s17] =	ssyncadd.s32 $0xFFFFFB00  }
0xc4: {  	_ =	sfence.sel $0x180000  }
0xc5: {  	[bflag:$0x0] =	sbarrier.arrive $0xFFFF  }
0xc6: {  	_ =	strace $0x90000047  }
0xc7: {  	s0 =	stileid.u32;
	[bflag:$0x2] =	sbarrier.arrive $0xFFFF  }
0xc8: {  	p0 =	sne.s32 s0, $0x0;
	s0 =	rddreg [dreg:$0x6]  }
0xc9: {  	s0 =	sadd.s32 @!p0 $0x100000, s0  }
0xca: {  	[sflag:s0] =	ssyncadd.tile.s32 @!p0 $0x1;
	_ =	shalt  }
.Lfunc_end2:
_tile_overlayer_lowered:
.L_overlay_start_2:
0xcb: {  	(tag) =	ssettag $0x2  }
0xcc: {  	s0 =	rddreg [dreg:$0x0];
	s2 =	stileid.u32  }
0xcd: {  	s1 =	rddreg [dreg:$0x1];
	p0 =	sne.s32 s2, $0x0  }
0xce: {  	s3 =	rddreg [dreg:$0x2];
	[bflag:$0x3] =	sbarrier.arrive $0xFFFF;
	s2 =	simm.s32 @!p0 $0x1C08  }
0xcf: {  	[timem:s3], [sflag:s2] =	dma.local @!p0 [hbm:s0], s1  }
0xd0: {  	s0 =	simm.s32 @!p0 $0x8  }
0xd1: {  	_ =	swait.ge @!p0 [sflag:s0], s1  }
0xd2: {  	s1 =	ssub.s32 @!p0 $0x0, s1;
	[sflag:s0] =	ssyncset.done @!p0 $0x0  }
0xd3: {  	[sflag:s0] =	ssyncadd.s32 @!p0 s1  }
0xd4: {  	[bflag:$0x3] =	sbarrier.arrive $0xFFFF  }
0xd5: {  	_ =	shalt  }

</sc_bundles>
